<compile_context>
chip_gen: v7x
topology: tpu7x:2x2x1
jax: 0.10.2.dev20260603
libtpu: 0.0.44.dev20260713+nightly
codegen_flags: <defaults>
</compile_context>

<pallas_src>
import functools

import jax
import jax.numpy as jnp
from jax import lax
from jax.experimental import pallas as pl
from jax.experimental.pallas import tpu as pltpu
from jax.experimental.pallas import tpu_sc as plsc

N = 10000
E = 320000
HID = 128

NC = 2
NS = 16
NW = NC * NS
CH = 128
NCH = 80
EW = CH * NCH
EPAD = EW * NW
NP = 10240
RPT = NP // NS

BN = 2000
BP = 2048

def _spmm_body(g_hbm, src_hbm, dst_hbm, out_hbm, sidx, didx, rows, zbuf, acc_sh, sem):
    c = lax.axis_index("c")
    s = lax.axis_index("s")
    w = c * NS + s

    def _zv(i, carry):
        zbuf[i // 8, pl.ds((i % 8) * 16, 16)] = jnp.zeros((16,), jnp.float32)
        return carry

    lax.fori_loop(0, 64 * 8, _zv, 0)

    def _zs(i, carry):
        pltpu.sync_copy(zbuf, acc_sh.at[pl.ds(s * RPT + i * 64, 64)])
        return carry

    lax.fori_loop(0, RPT // 64, _zs, 0)
    plsc.subcore_barrier()

    base = w * EW

    def _chunk(i, carry):
        off = base + i * CH
        pltpu.sync_copy(src_hbm.at[pl.ds(off, CH)], sidx)
        pltpu.sync_copy(dst_hbm.at[pl.ds(off, CH)], didx)
        pltpu.async_copy(g_hbm.at[sidx], rows, sem).wait()
        pltpu.sync_copy(rows, acc_sh.at[didx], add=True)
        return carry

    lax.fori_loop(0, NCH, _chunk, 0)
    plsc.subcore_barrier()
    pltpu.sync_copy(acc_sh.at[pl.ds(s * RPT, RPT)],
                    out_hbm.at[c].at[pl.ds(s * RPT, RPT)])


@functools.cache
def _get_spmm_sc():
    mesh = plsc.VectorSubcoreMesh(core_axis_name="c", subcore_axis_name="s",
                                  num_cores=NC, num_subcores=NS)
    return pl.kernel(
        _spmm_body,
        out_type=jax.ShapeDtypeStruct((NC, NP, HID), jnp.float32),
        mesh=mesh,
        scratch_types=[
            pltpu.VMEM((CH,), jnp.int32),
            pltpu.VMEM((CH,), jnp.int32),
            pltpu.VMEM((CH, HID), jnp.float32),
            pltpu.VMEM((64, HID), jnp.float32),
            pltpu.VMEM_SHARED((NP, HID), jnp.float32),
            pltpu.SemaphoreType.DMA,
        ],
    )


def _dinv_body(degp_ref, dinv_ref):
    deg = jnp.sum(degp_ref[...], axis=(0, 2)) * (1.0 / HID) + 1.0
    dinv_ref[...] = lax.rsqrt(deg)


_dinv_tc = pl.pallas_call(
    _dinv_body,
    grid=(NP // BP,),
    in_specs=[pl.BlockSpec((NC, BP, HID), lambda i: (0, i, 0))],
    out_specs=pl.BlockSpec((BP,), lambda i: (i,)),
    out_shape=jax.ShapeDtypeStruct((NP,), jnp.float32),
)


def _k1_body(x_ref, w1_ref, b1_ref, wc1_ref, dinv_ref, x1_ref, g1_ref):
    x1 = jnp.dot(x_ref[...], w1_ref[...], preferred_element_type=jnp.float32)
    x1 = x1 + b1_ref[...]
    x1_ref[...] = x1
    g1_ref[...] = jnp.dot(x1, wc1_ref[...],
                          preferred_element_type=jnp.float32) * dinv_ref[...]


_k1_tc = pl.pallas_call(
    _k1_body,
    grid=(N // BN,),
    in_specs=[
        pl.BlockSpec((BN, HID), lambda i: (i, 0)),
        pl.BlockSpec((HID, HID), lambda i: (0, 0)),
        pl.BlockSpec((1, HID), lambda i: (0, 0)),
        pl.BlockSpec((HID, HID), lambda i: (0, 0)),
        pl.BlockSpec((BN, 1), lambda i: (i, 0)),
    ],
    out_specs=[
        pl.BlockSpec((BN, HID), lambda i: (i, 0)),
        pl.BlockSpec((BN, HID), lambda i: (i, 0)),
    ],
    out_shape=[
        jax.ShapeDtypeStruct((N, HID), jnp.float32),
        jax.ShapeDtypeStruct((N, HID), jnp.float32),
    ],
)


def _k2_body(acc_ref, g_ref, dinv_ref, bc_ref, wc_ref, h_ref, gn_ref):
    tot = acc_ref[0] + acc_ref[1] + g_ref[...]
    h = jnp.maximum(tot * dinv_ref[...] + bc_ref[...], 0.0)
    h_ref[...] = h
    gn_ref[...] = jnp.dot(h, wc_ref[...],
                          preferred_element_type=jnp.float32) * dinv_ref[...]


_k2_tc = pl.pallas_call(
    _k2_body,
    grid=(N // BN,),
    in_specs=[
        pl.BlockSpec((NC, BN, HID), lambda i: (0, i, 0)),
        pl.BlockSpec((BN, HID), lambda i: (i, 0)),
        pl.BlockSpec((BN, 1), lambda i: (i, 0)),
        pl.BlockSpec((1, HID), lambda i: (0, 0)),
        pl.BlockSpec((HID, HID), lambda i: (0, 0)),
    ],
    out_specs=[
        pl.BlockSpec((BN, HID), lambda i: (i, 0)),
        pl.BlockSpec((BN, HID), lambda i: (i, 0)),
    ],
    out_shape=[
        jax.ShapeDtypeStruct((N, HID), jnp.float32),
        jax.ShapeDtypeStruct((N, HID), jnp.float32),
    ],
)


def _k3_body(acc_ref, g_ref, dinv_ref, bc_ref, x1_ref, x2_ref,
             w2a_ref, w2b_ref, w2c_ref, b2_ref, asel_ref, nv_ref, pp_ref):
    tot = acc_ref[0] + acc_ref[1] + g_ref[...]
    x3 = jnp.maximum(tot * dinv_ref[...] + bc_ref[...], 0.0)
    nv = (jnp.dot(x1_ref[...], w2a_ref[...], preferred_element_type=jnp.float32)
          + jnp.dot(x2_ref[...], w2b_ref[...], preferred_element_type=jnp.float32)
          + jnp.dot(x3, w2c_ref[...], preferred_element_type=jnp.float32)
          + b2_ref[...])
    nv_ref[...] = nv
    mask = asel_ref[...] == 0
    part = jnp.sum(jnp.where(mask, nv, 0.0), axis=0, keepdims=True)
    row0 = lax.broadcasted_iota(jnp.int32, (8, HID), 0) == 0
    pp_ref[...] = jnp.where(row0, part, 0.0)


_k3_tc = pl.pallas_call(
    _k3_body,
    grid=(N // BN,),
    in_specs=[
        pl.BlockSpec((NC, BN, HID), lambda i: (0, i, 0)),
        pl.BlockSpec((BN, HID), lambda i: (i, 0)),
        pl.BlockSpec((BN, 1), lambda i: (i, 0)),
        pl.BlockSpec((1, HID), lambda i: (0, 0)),
        pl.BlockSpec((BN, HID), lambda i: (i, 0)),
        pl.BlockSpec((BN, HID), lambda i: (i, 0)),
        pl.BlockSpec((HID, HID), lambda i: (0, 0)),
        pl.BlockSpec((HID, HID), lambda i: (0, 0)),
        pl.BlockSpec((HID, HID), lambda i: (0, 0)),
        pl.BlockSpec((1, HID), lambda i: (0, 0)),
        pl.BlockSpec((BN, 1), lambda i: (i, 0)),
    ],
    out_specs=[
        pl.BlockSpec((BN, HID), lambda i: (i, 0)),
        pl.BlockSpec((8, HID), lambda i: (i, 0)),
    ],
    out_shape=[
        jax.ShapeDtypeStruct((N, HID), jnp.float32),
        jax.ShapeDtypeStruct((8 * N // BN, HID), jnp.float32),
    ],
)


def _k5_body(nv_ref, pp_ref, w6_ref, b6_ref, w5a_ref, w5b_ref, b5_ref,
             w8_ref, b8_ref, q_ref):
    pooled = jnp.sum(pp_ref[...], axis=0, keepdims=True)
    grow = jnp.dot(pooled, w6_ref[...], preferred_element_type=jnp.float32)
    grow = grow + b6_ref[...]
    crow = jnp.dot(jnp.maximum(grow, 0.0), w5a_ref[...],
                   preferred_element_type=jnp.float32) + b5_ref[...]
    h = jnp.dot(jnp.maximum(nv_ref[...], 0.0), w5b_ref[...],
                preferred_element_type=jnp.float32) + crow
    h = jnp.maximum(h, 0.0)
    q_ref[...] = jnp.sum(h * w8_ref[...], axis=1, keepdims=True) + b8_ref[...]


_k5_tc = pl.pallas_call(
    _k5_body,
    grid=(N // BN,),
    in_specs=[
        pl.BlockSpec((BN, HID), lambda i: (i, 0)),
        pl.BlockSpec((8 * N // BN, HID), lambda i: (0, 0)),
        pl.BlockSpec((HID, HID), lambda i: (0, 0)),
        pl.BlockSpec((1, HID), lambda i: (0, 0)),
        pl.BlockSpec((HID, HID), lambda i: (0, 0)),
        pl.BlockSpec((HID, HID), lambda i: (0, 0)),
        pl.BlockSpec((1, HID), lambda i: (0, 0)),
        pl.BlockSpec((1, HID), lambda i: (0, 0)),
        pl.BlockSpec((1, 1), lambda i: (0, 0)),
    ],
    out_specs=pl.BlockSpec((BN, 1), lambda i: (i, 0)),
    out_shape=jax.ShapeDtypeStruct((N, 1), jnp.float32),
)


def kernel(x, action_sel, edge_index, W1, b1, Wc1, bc1, Wc2, bc2,
           W2, b2, W5, b5, W6, b6, W8, b8):
    src = edge_index[0].astype(jnp.int32)
    dst = edge_index[1].astype(jnp.int32)
    pad = EPAD - E
    src_p = jnp.concatenate([src, jnp.zeros((pad,), jnp.int32)])
    dst_p = jnp.concatenate([dst, jnp.full((pad,), N, jnp.int32)])
    spmm = _get_spmm_sc()
    ones_tbl = jnp.ones((N, HID), jnp.float32)
    deg_parts = spmm(ones_tbl, src_p, dst_p)
    dinv = _dinv_tc(deg_parts)
    dinv2 = dinv[:N, None]

    xp = jnp.pad(x, ((0, 0), (0, HID - x.shape[1])))
    W1p = jnp.zeros((HID, HID), jnp.float32).at[: x.shape[1]].set(W1)

    x1, g1 = _k1_tc(xp, W1p, b1[None, :], Wc1, dinv2)
    acc1 = spmm(g1, src_p, dst_p)
    x2, g2 = _k2_tc(acc1, g1, dinv2, bc1[None, :], Wc2)
    acc2 = spmm(g2, src_p, dst_p)
    nv, pp = _k3_tc(acc2, g2, dinv2, bc2[None, :],
                    x1, x2, W2[:HID], W2[HID:2 * HID], W2[2 * HID:],
                    b2[None, :], action_sel[:, None].astype(jnp.int32))
    q = _k5_tc(nv, pp, W6, b6[None, :], W5[:HID], W5[HID:],
               b5[None, :], W8.T, b8[None, :])
    return (q[:, 0], nv)

# --- scband reference (transcript-rebuilt; emitter-appended) ---
"""Pipeline reference for scband-q-fun-37228776522458 (READ-ONLY COPY).

The authoritative reference and input builder live on the scoring server;
editing this copy changes nothing except your own understanding.
"""

import jax, jax.numpy as jnp
import numpy as np

N = 10000
E = 320000
HID = 128


def _gcn_conv(h, src, dst, W, b, num_nodes):
    # Faithful PyG GCNConv: h W, add self-loops, sym-normalized scatter-add, + bias
    h = h @ W
    loop = jnp.arange(num_nodes)
    src2 = jnp.concatenate([src, loop])
    dst2 = jnp.concatenate([dst, loop])
    deg = jax.ops.segment_sum(jnp.ones(src2.shape[0], h.dtype), dst2, num_segments=num_nodes)
    dinv = jnp.where(deg > 0, jax.lax.rsqrt(jnp.maximum(deg, 1e-12)), 0.0)
    norm = dinv[src2] * dinv[dst2]
    msg = h[src2] * norm[:, None]
    out = jax.ops.segment_sum(msg, dst2, num_segments=num_nodes)
    return out + b


def _lin_init(k, fan_in, fan_out):
    s = 1.0 / np.sqrt(fan_in)
    kw, kb = jax.random.split(k)
    W = jax.random.uniform(kw, (fan_in, fan_out), jnp.float32, -s, s)
    b = jax.random.uniform(kb, (fan_out,), jnp.float32, -s, s)
    return W, b


def setup_inputs(seed: int = 0) -> dict:
    key = jax.random.key(seed)
    ks = jax.random.split(key, 12)
    x = jax.random.normal(ks[0], (N, 3), jnp.float32)
    action_sel = jax.random.randint(ks[1], (N,), 0, 2)
    edge_index = jax.random.randint(ks[2], (2, E), 0, N)
    W1, b1 = _lin_init(ks[3], 3, HID)
    Wc1, bc1 = _lin_init(ks[4], HID, HID)
    Wc2, bc2 = _lin_init(ks[5], HID, HID)
    W2, b2 = _lin_init(ks[6], 3 * HID, HID)
    W5, b5 = _lin_init(ks[7], 2 * HID, HID)
    W6, b6 = _lin_init(ks[8], HID, HID)
    W8, b8 = _lin_init(ks[9], HID, 1)
    return {"x": x, "action_sel": action_sel, "edge_index": edge_index,
            "W1": W1, "b1": b1, "Wc1": Wc1, "bc1": bc1, "Wc2": Wc2, "bc2": bc2,
            "W2": W2, "b2": b2, "W5": W5, "b5": b5, "W6": W6, "b6": b6,
            "W8": W8, "b8": b8}


def reference(x, action_sel, edge_index, W1, b1, Wc1, bc1, Wc2, bc2, W2, b2, W5, b5, W6, b6, W8, b8):
    # mu=None branch of Q_Fun.forward (batch_flag=False, test_flag=False)
    num_nodes = x.shape[0]
    src, dst = edge_index[0], edge_index[1]
    x1 = x @ W1 + b1
    x2 = jax.nn.relu(_gcn_conv(x1, src, dst, Wc1, bc1, num_nodes))
    x3 = jax.nn.relu(_gcn_conv(x2, src, dst, Wc2, bc2, num_nodes))
    nodes_vec = jnp.concatenate([x1, x2, x3], axis=-1) @ W2 + b2
    # scatter_add(nodes_vec, action_sel, dim=-2)[0]
    pooled0 = jax.ops.segment_sum(nodes_vec, action_sel, num_segments=2)[0]
    graph_pool2 = jnp.tile(pooled0[None, :], (num_nodes, 1))
    cat = jnp.concatenate([graph_pool2 @ W6 + b6, nodes_vec], axis=-1)
    q = (jax.nn.relu(jax.nn.relu(cat) @ W5 + b5) @ W8 + b8).squeeze()
    return (q, nodes_vec)

if __name__ == "__main__":
    import jax
    _d = setup_inputs()
    print(jax.jit(kernel)(*tuple(_d.values())))

</pallas_src>

<mosaic_0001>
#map = affine_map<(d0, d1) -> (0, 0)>
#map1 = affine_map<(d0, d1) -> (0)>
#map2 = affine_map<(d0, d1) -> (0, 0, 0)>
module attributes {stable_mosaic.version = 14 : i64} {
  func.func @_spmm_body(%arg0: i32, %arg1: i32, %arg2: memref<10000x128xf32, #tpu.memory_space<hbm>>, %arg3: memref<327680xi32, #tpu.memory_space<hbm>>, %arg4: memref<327680xi32, #tpu.memory_space<hbm>>, %arg5: memref<2x10240x128xf32, #tpu.memory_space<hbm>>, %arg6: memref<128xi32, #tpu.memory_space<vmem>>, %arg7: memref<128xi32, #tpu.memory_space<vmem>>, %arg8: memref<128x128xf32, #tpu.memory_space<vmem>>, %arg9: memref<64x128xf32, #tpu.memory_space<vmem>>, %arg10: memref<10240x128xf32, #tpu.memory_space<vmem_shared>>, %arg11: memref<!tpu.dma_semaphore, #tpu.memory_space<semaphore_mem>>) attributes {dimension_semantics = [#tpu.dimension_semantics<core_parallel>, #tpu.dimension_semantics<subcore_parallel>], iteration_bounds = array<i64: 2, 16>, scalar_prefetch = 0 : i64, scratch_operands = 6 : i64, tpu.core_type = #tpu.core_type<sc_vector_subcore>, window_params = [{transform_indices = #map}, {transform_indices = #map1}, {transform_indices = #map1}, {transform_indices = #map2}]} {
    %mul3A = arith.constant 16 : i32
    %mul3A_0 = arith.muli %arg0, %mul3A : i32
    %add3A = arith.addi %mul3A_0, %arg1 : i32
    %scan3A = arith.constant 0 : i32
    %scan3A_1 = arith.constant 0 : i32
    %scan3A_2 = arith.constant 512 : i32
    %scan3A_3 = arith.addi %scan3A_1, %scan3A_2 : i32
    %scan3A_4 = arith.constant 1 : i32
    scf.for %scan3A_25 = %scan3A_1 to %scan3A_3 step %scan3A_4  : i32 {
      %broadcast_in_dim3A = arith.constant 0.000000e+00 : f32
      %broadcast_in_dim3A_26 = vector.broadcast %broadcast_in_dim3A : f32 to vector<16xf32>
      %jit3A = arith.constant 8 : i32
      %div3A = arith.divsi %scan3A_25, %jit3A : i32
      %sign3A = arith.constant 0 : i32
      %sign3A_27 = arith.cmpi sgt, %scan3A_25, %sign3A : i32
      %sign3A_28 = arith.extui %sign3A_27 : i1 to i32
      %sign3A_29 = arith.constant 0 : i32
      %sign3A_30 = arith.cmpi slt, %scan3A_25, %sign3A_29 : i32
      %sign3A_31 = arith.extui %sign3A_30 : i1 to i32
      %sign3A_32 = arith.subi %sign3A_28, %sign3A_31 : i32
      %sign3A_33 = arith.constant 0 : i32
      %sign3A_34 = arith.cmpi sgt, %jit3A, %sign3A_33 : i32
      %sign3A_35 = arith.extui %sign3A_34 : i1 to i32
      %sign3A_36 = arith.constant 0 : i32
      %sign3A_37 = arith.cmpi slt, %jit3A, %sign3A_36 : i32
      %sign3A_38 = arith.extui %sign3A_37 : i1 to i32
      %sign3A_39 = arith.subi %sign3A_35, %sign3A_38 : i32
      %ne3A = arith.cmpi ne, %sign3A_32, %sign3A_39 : i32
      %rem3A = arith.remsi %scan3A_25, %jit3A : i32
      %ne3A_40 = arith.constant 0 : i32
      %ne3A_41 = arith.cmpi ne, %rem3A, %ne3A_40 : i32
      %and3A = arith.andi %ne3A, %ne3A_41 : i1
      %sub3A = arith.constant 1 : i32
      %sub3A_42 = arith.subi %div3A, %sub3A : i32
      %select_n3A = arith.select %and3A, %sub3A_42, %div3A : i32
      %jit3A_43 = arith.constant 8 : i32
      %eq3A = arith.constant 0 : i32
      %eq3A_44 = arith.cmpi eq, %jit3A_43, %eq3A : i32
      %jit3A_45 = arith.constant 1 : i32
      %select_n3A_46 = arith.select %eq3A_44, %jit3A_45, %jit3A_43 : i32
      %rem3A_47 = arith.remsi %scan3A_25, %select_n3A_46 : i32
      %ne3A_48 = arith.constant 0 : i32
      %ne3A_49 = arith.cmpi ne, %rem3A_47, %ne3A_48 : i32
      %lt3A = arith.constant 0 : i32
      %lt3A_50 = arith.cmpi slt, %rem3A_47, %lt3A : i32
      %lt3A_51 = arith.constant 0 : i32
      %lt3A_52 = arith.cmpi slt, %select_n3A_46, %lt3A_51 : i32
      %ne3A_53 = arith.xori %lt3A_50, %lt3A_52 : i1
      %and3A_54 = arith.andi %ne3A_53, %ne3A_49 : i1
      %add3A_55 = arith.addi %rem3A_47, %select_n3A_46 : i32
      %select_n3A_56 = arith.select %and3A_54, %add3A_55, %rem3A_47 : i32
      %mul3A_57 = arith.constant 16 : i32
      %mul3A_58 = arith.muli %select_n3A_56, %mul3A_57 : i32
      %swap3A = arith.index_cast %select_n3A : i32 to index
      %swap3A_59 = arith.index_cast %mul3A_58 : i32 to index
      %swap3A_60 = tpu.vector_load %arg9[%swap3A, %swap3A_59] {strides = array<i32>} : memref<64x128xf32, #tpu.memory_space<vmem>>, vector<1x16xf32>,
      %swap3A_61 = vector.shape_cast %swap3A_60 : vector<1x16xf32> to vector<16xf32>
      %swap3A_62 = vector.shape_cast %broadcast_in_dim3A_26 : vector<16xf32> to vector<1x16xf32>
      tpu.vector_store %arg9[%swap3A, %swap3A_59], %swap3A_62 {strides = array<i32>} : memref<64x128xf32, #tpu.memory_space<vmem>>, vector<1x16xf32>,
    }
    %scan3A_5 = arith.constant 512 : i32
    %scan3A_6 = arith.constant 0 : i32
    %scan3A_7 = arith.constant 0 : i32
    %scan3A_8 = arith.constant 10 : i32
    %scan3A_9 = arith.addi %scan3A_7, %scan3A_8 : i32
    %scan3A_10 = arith.constant 1 : i32
    scf.for %scan3A_25 = %scan3A_7 to %scan3A_9 step %scan3A_10  : i32 {
      %mul3A_26 = arith.constant 640 : i32
      %mul3A_27 = arith.muli %arg1, %mul3A_26 : i32
      %mul3A_28 = arith.constant 64 : i32
      %mul3A_29 = arith.muli %scan3A_25, %mul3A_28 : i32
      %add3A_30 = arith.addi %mul3A_27, %mul3A_29 : i32
      "tpu.region"() ({
        %run_scoped3A = tpu.sem_alloc : memref<!tpu.dma_semaphore, #tpu.memory_space<semaphore_mem>>
        %dma_start3A = arith.constant 0 : i32
        %dma_start3A_31 = tpu.memref_slice %arg10[%add3A_30, %dma_start3A] : memref<10240x128xf32, #tpu.memory_space<vmem_shared>> -> memref<64x128xf32, #tpu.memory_space<vmem_shared>>
        %dma_start3A_32 = arith.constant 0 : i32
        %dma_start3A_33 = tpu.memref_slice %arg10[%add3A_30, %dma_start3A_32] : memref<10240x128xf32, #tpu.memory_space<vmem_shared>> -> memref<64x128xf32, #tpu.memory_space<vmem_shared>>
        tpu.enqueue_dma source(%arg9 : memref<64x128xf32, #tpu.memory_space<vmem>>) target(%dma_start3A_33 : memref<64x128xf32, #tpu.memory_space<vmem_shared>>) target_semaphore(%run_scoped3A : memref<!tpu.dma_semaphore, #tpu.memory_space<semaphore_mem>>)
        %dma_wait3A = arith.constant 0 : i32
        %dma_wait3A_34 = tpu.memref_slice %arg10[%add3A_30, %dma_wait3A] : memref<10240x128xf32, #tpu.memory_space<vmem_shared>> -> memref<64x128xf32, #tpu.memory_space<vmem_shared>>
        %dma_wait3A_35 = arith.constant 0 : i32
        %dma_wait3A_36 = tpu.memref_slice %arg10[%add3A_30, %dma_wait3A_35] : memref<10240x128xf32, #tpu.memory_space<vmem_shared>> -> memref<64x128xf32, #tpu.memory_space<vmem_shared>>
        tpu.wait_dma2 semaphore(%run_scoped3A : memref<!tpu.dma_semaphore, #tpu.memory_space<semaphore_mem>>) src(%arg9 : memref<64x128xf32, #tpu.memory_space<vmem>>) dst(%dma_wait3A_36 : memref<64x128xf32, #tpu.memory_space<vmem_shared>>)
        tpu.yield
      }) : () -> ()
    }
    %scan3A_11 = arith.constant 10 : i32
    %barrier3A = arith.constant 0 : index
    tpu.barrier barrier_id(%barrier3A)
    %mul3A_12 = arith.constant 10240 : i32
    %mul3A_13 = arith.muli %add3A, %mul3A_12 : i32
    %scan3A_14 = arith.constant 0 : i32
    %scan3A_15 = arith.constant 0 : i32
    %scan3A_16 = arith.constant 80 : i32
    %scan3A_17 = arith.addi %scan3A_15, %scan3A_16 : i32
    %scan3A_18 = arith.constant 1 : i32
    scf.for %scan3A_25 = %scan3A_15 to %scan3A_17 step %scan3A_18  : i32 {
      %mul3A_26 = arith.constant 128 : i32
      %mul3A_27 = arith.muli %scan3A_25, %mul3A_26 : i32
      %add3A_28 = arith.addi %mul3A_13, %mul3A_27 : i32
      "tpu.region"() ({
        %run_scoped3A = tpu.sem_alloc : memref<!tpu.dma_semaphore, #tpu.memory_space<semaphore_mem>>
        %dma_start3A_33 = tpu.memref_slice %arg3[%add3A_28] : memref<327680xi32, #tpu.memory_space<hbm>> -> memref<128xi32, #tpu.memory_space<hbm>>
        %dma_start3A_34 = tpu.memref_slice %arg3[%add3A_28] : memref<327680xi32, #tpu.memory_space<hbm>> -> memref<128xi32, #tpu.memory_space<hbm>>
        tpu.enqueue_dma source(%dma_start3A_34 : memref<128xi32, #tpu.memory_space<hbm>>) target(%arg6 : memref<128xi32, #tpu.memory_space<vmem>>) target_semaphore(%run_scoped3A : memref<!tpu.dma_semaphore, #tpu.memory_space<semaphore_mem>>)
        %dma_wait3A_35 = tpu.memref_slice %arg3[%add3A_28] : memref<327680xi32, #tpu.memory_space<hbm>> -> memref<128xi32, #tpu.memory_space<hbm>>
        %dma_wait3A_36 = tpu.memref_slice %arg3[%add3A_28] : memref<327680xi32, #tpu.memory_space<hbm>> -> memref<128xi32, #tpu.memory_space<hbm>>
        tpu.wait_dma2 semaphore(%run_scoped3A : memref<!tpu.dma_semaphore, #tpu.memory_space<semaphore_mem>>) src(%dma_wait3A_36 : memref<128xi32, #tpu.memory_space<hbm>>) dst(%arg6 : memref<128xi32, #tpu.memory_space<vmem>>)
        tpu.yield
      }) : () -> ()
      "tpu.region"() ({
        %run_scoped3A = tpu.sem_alloc : memref<!tpu.dma_semaphore, #tpu.memory_space<semaphore_mem>>
        %dma_start3A_33 = tpu.memref_slice %arg4[%add3A_28] : memref<327680xi32, #tpu.memory_space<hbm>> -> memref<128xi32, #tpu.memory_space<hbm>>
        %dma_start3A_34 = tpu.memref_slice %arg4[%add3A_28] : memref<327680xi32, #tpu.memory_space<hbm>> -> memref<128xi32, #tpu.memory_space<hbm>>
        tpu.enqueue_dma source(%dma_start3A_34 : memref<128xi32, #tpu.memory_space<hbm>>) target(%arg7 : memref<128xi32, #tpu.memory_space<vmem>>) target_semaphore(%run_scoped3A : memref<!tpu.dma_semaphore, #tpu.memory_space<semaphore_mem>>)
        %dma_wait3A_35 = tpu.memref_slice %arg4[%add3A_28] : memref<327680xi32, #tpu.memory_space<hbm>> -> memref<128xi32, #tpu.memory_space<hbm>>
        %dma_wait3A_36 = tpu.memref_slice %arg4[%add3A_28] : memref<327680xi32, #tpu.memory_space<hbm>> -> memref<128xi32, #tpu.memory_space<hbm>>
        tpu.wait_dma2 semaphore(%run_scoped3A : memref<!tpu.dma_semaphore, #tpu.memory_space<semaphore_mem>>) src(%dma_wait3A_36 : memref<128xi32, #tpu.memory_space<hbm>>) dst(%arg7 : memref<128xi32, #tpu.memory_space<vmem>>)
        tpu.yield
      }) : () -> ()
      %dma_start3A = arith.constant 0 : i32
      %dma_start3A_29 = arith.constant 0 : i32
      %dma_start3A_30 = tpu.memref_slice %arg2[%dma_start3A, %dma_start3A_29] : memref<10000x128xf32, #tpu.memory_space<hbm>> -> memref<10000x128xf32, #tpu.memory_space<hbm>>
      tpu.enqueue_indirect_dma source(%dma_start3A_30 : memref<10000x128xf32, #tpu.memory_space<hbm>>) target(%arg8 : memref<128x128xf32, #tpu.memory_space<vmem>>) offsets(%arg6 : memref<128xi32, #tpu.memory_space<vmem>>) semaphore(%arg11 : memref<!tpu.dma_semaphore, #tpu.memory_space<semaphore_mem>>)
      %dma_wait3A = arith.constant 0 : i32
      %dma_wait3A_31 = arith.constant 0 : i32
      %dma_wait3A_32 = tpu.memref_slice %arg2[%dma_wait3A, %dma_wait3A_31] : memref<10000x128xf32, #tpu.memory_space<hbm>> -> memref<10000x128xf32, #tpu.memory_space<hbm>>
      tpu.wait_indirect_dma semaphore(%arg11 : memref<!tpu.dma_semaphore, #tpu.memory_space<semaphore_mem>>) src(%dma_wait3A_32 : memref<10000x128xf32, #tpu.memory_space<hbm>>) dst(%arg8 : memref<128x128xf32, #tpu.memory_space<vmem>>)
      "tpu.region"() ({
        %run_scoped3A = tpu.sem_alloc : memref<!tpu.dma_semaphore, #tpu.memory_space<semaphore_mem>>
        %dma_start3A_33 = arith.constant 0 : i32
        %dma_start3A_34 = arith.constant 0 : i32
        %dma_start3A_35 = tpu.memref_slice %arg10[%dma_start3A_33, %dma_start3A_34] : memref<10240x128xf32, #tpu.memory_space<vmem_shared>> -> memref<10240x128xf32, #tpu.memory_space<vmem_shared>>
        tpu.enqueue_indirect_dma source(%arg8 : memref<128x128xf32, #tpu.memory_space<vmem>>) target(%dma_start3A_35 : memref<10240x128xf32, #tpu.memory_space<vmem_shared>>) offsets(%arg7 : memref<128xi32, #tpu.memory_space<vmem>>) semaphore(%run_scoped3A : memref<!tpu.dma_semaphore, #tpu.memory_space<semaphore_mem>>) {add = true}
        %dma_wait3A_36 = arith.constant 0 : i32
        %dma_wait3A_37 = arith.constant 0 : i32
        %dma_wait3A_38 = tpu.memref_slice %arg10[%dma_wait3A_36, %dma_wait3A_37] : memref<10240x128xf32, #tpu.memory_space<vmem_shared>> -> memref<10240x128xf32, #tpu.memory_space<vmem_shared>>
        tpu.wait_indirect_dma semaphore(%run_scoped3A : memref<!tpu.dma_semaphore, #tpu.memory_space<semaphore_mem>>) src(%arg8 : memref<128x128xf32, #tpu.memory_space<vmem>>) dst(%dma_wait3A_38 : memref<10240x128xf32, #tpu.memory_space<vmem_shared>>)
        tpu.yield
      }) : () -> ()
    }
    %scan3A_19 = arith.constant 80 : i32
    %barrier3A_20 = arith.constant 0 : index
    tpu.barrier barrier_id(%barrier3A_20)
    %mul3A_21 = arith.constant 640 : i32
    %mul3A_22 = arith.muli %arg1, %mul3A_21 : i32
    %mul3A_23 = arith.constant 640 : i32
    %mul3A_24 = arith.muli %arg1, %mul3A_23 : i32
    "tpu.region"() ({
      %run_scoped3A = tpu.sem_alloc : memref<!tpu.dma_semaphore, #tpu.memory_space<semaphore_mem>>
      %dma_start3A = arith.constant 0 : i32
      %dma_start3A_25 = arith.constant 0 : i32
      %dma_start3A_26 = tpu.memref_slice %arg5[%arg0, %dma_start3A, %dma_start3A_25] : memref<2x10240x128xf32, #tpu.memory_space<hbm>> -> memref<1x10240x128xf32, #tpu.memory_space<hbm>>
      %dma_start3A_27 = tpu.memref_squeeze %dma_start3A_26 : memref<1x10240x128xf32, #tpu.memory_space<hbm>> -> memref<10240x128xf32, #tpu.memory_space<hbm>>
      %dma_start3A_28 = arith.constant 0 : i32
      %dma_start3A_29 = tpu.memref_slice %dma_start3A_27[%mul3A_24, %dma_start3A_28] : memref<10240x128xf32, #tpu.memory_space<hbm>> -> memref<640x128xf32, #tpu.memory_space<hbm>>
      %dma_start3A_30 = arith.constant 0 : i32
      %dma_start3A_31 = tpu.memref_slice %arg10[%mul3A_22, %dma_start3A_30] : memref<10240x128xf32, #tpu.memory_space<vmem_shared>> -> memref<640x128xf32, #tpu.memory_space<vmem_shared>>
      tpu.enqueue_dma source(%dma_start3A_31 : memref<640x128xf32, #tpu.memory_space<vmem_shared>>) target(%dma_start3A_29 : memref<640x128xf32, #tpu.memory_space<hbm>>) target_semaphore(%run_scoped3A : memref<!tpu.dma_semaphore, #tpu.memory_space<semaphore_mem>>)
      %dma_wait3A = arith.constant 0 : i32
      %dma_wait3A_32 = arith.constant 0 : i32
      %dma_wait3A_33 = tpu.memref_slice %arg5[%arg0, %dma_wait3A, %dma_wait3A_32] : memref<2x10240x128xf32, #tpu.memory_space<hbm>> -> memref<1x10240x128xf32, #tpu.memory_space<hbm>>
      %dma_wait3A_34 = tpu.memref_squeeze %dma_wait3A_33 : memref<1x10240x128xf32, #tpu.memory_space<hbm>> -> memref<10240x128xf32, #tpu.memory_space<hbm>>
      %dma_wait3A_35 = arith.constant 0 : i32
      %dma_wait3A_36 = tpu.memref_slice %dma_wait3A_34[%mul3A_24, %dma_wait3A_35] : memref<10240x128xf32, #tpu.memory_space<hbm>> -> memref<640x128xf32, #tpu.memory_space<hbm>>
      %dma_wait3A_37 = arith.constant 0 : i32
      %dma_wait3A_38 = tpu.memref_slice %arg10[%mul3A_22, %dma_wait3A_37] : memref<10240x128xf32, #tpu.memory_space<vmem_shared>> -> memref<640x128xf32, #tpu.memory_space<vmem_shared>>
      tpu.wait_dma2 semaphore(%run_scoped3A : memref<!tpu.dma_semaphore, #tpu.memory_space<semaphore_mem>>) src(%dma_wait3A_38 : memref<640x128xf32, #tpu.memory_space<vmem_shared>>) dst(%dma_wait3A_36 : memref<640x128xf32, #tpu.memory_space<hbm>>)
      tpu.yield
    }) : () -> ()
    return
  }
}

#map = affine_map<(d0, d1) -> (0, 0)>
#map1 = affine_map<(d0, d1) -> (0)>
#map2 = affine_map<(d0, d1) -> (0, 0, 0)>
module attributes {stable_mosaic.version = 14 : i64} {
  func.func @_spmm_body(%arg0: i32, %arg1: i32, %arg2: memref<10000x128xf32, #tpu.memory_space<hbm>>, %arg3: memref<327680xi32, #tpu.memory_space<hbm>>, %arg4: memref<327680xi32, #tpu.memory_space<hbm>>, %arg5: memref<2x10240x128xf32, #tpu.memory_space<hbm>>, %arg6: memref<128xi32, #tpu.memory_space<vmem>>, %arg7: memref<128xi32, #tpu.memory_space<vmem>>, %arg8: memref<128x128xf32, #tpu.memory_space<vmem>>, %arg9: memref<64x128xf32, #tpu.memory_space<vmem>>, %arg10: memref<10240x128xf32, #tpu.memory_space<vmem_shared>>, %arg11: memref<!tpu.dma_semaphore, #tpu.memory_space<semaphore_mem>>) attributes {dimension_semantics = [#tpu.dimension_semantics<core_parallel>, #tpu.dimension_semantics<subcore_parallel>], iteration_bounds = array<i64: 2, 16>, scalar_prefetch = 0 : i64, scratch_operands = 6 : i64, tpu.core_type = #tpu.core_type<sc_vector_subcore>, window_params = [{transform_indices = #map}, {transform_indices = #map1}, {transform_indices = #map1}, {transform_indices = #map2}]} {
    %mul3A = arith.constant 16 : i32
    %mul3A_0 = arith.muli %arg0, %mul3A : i32
    %add3A = arith.addi %mul3A_0, %arg1 : i32
    %scan3A = arith.constant 0 : i32
    %scan3A_1 = arith.constant 0 : i32
    %scan3A_2 = arith.constant 512 : i32
    %scan3A_3 = arith.addi %scan3A_1, %scan3A_2 : i32
    %scan3A_4 = arith.constant 1 : i32
    scf.for %scan3A_25 = %scan3A_1 to %scan3A_3 step %scan3A_4  : i32 {
      %broadcast_in_dim3A = arith.constant 0.000000e+00 : f32
      %broadcast_in_dim3A_26 = vector.broadcast %broadcast_in_dim3A : f32 to vector<16xf32>
      %jit3A = arith.constant 8 : i32
      %div3A = arith.divsi %scan3A_25, %jit3A : i32
      %sign3A = arith.constant 0 : i32
      %sign3A_27 = arith.cmpi sgt, %scan3A_25, %sign3A : i32
      %sign3A_28 = arith.extui %sign3A_27 : i1 to i32
      %sign3A_29 = arith.constant 0 : i32
      %sign3A_30 = arith.cmpi slt, %scan3A_25, %sign3A_29 : i32
      %sign3A_31 = arith.extui %sign3A_30 : i1 to i32
      %sign3A_32 = arith.subi %sign3A_28, %sign3A_31 : i32
      %sign3A_33 = arith.constant 0 : i32
      %sign3A_34 = arith.cmpi sgt, %jit3A, %sign3A_33 : i32
      %sign3A_35 = arith.extui %sign3A_34 : i1 to i32
      %sign3A_36 = arith.constant 0 : i32
      %sign3A_37 = arith.cmpi slt, %jit3A, %sign3A_36 : i32
      %sign3A_38 = arith.extui %sign3A_37 : i1 to i32
      %sign3A_39 = arith.subi %sign3A_35, %sign3A_38 : i32
      %ne3A = arith.cmpi ne, %sign3A_32, %sign3A_39 : i32
      %rem3A = arith.remsi %scan3A_25, %jit3A : i32
      %ne3A_40 = arith.constant 0 : i32
      %ne3A_41 = arith.cmpi ne, %rem3A, %ne3A_40 : i32
      %and3A = arith.andi %ne3A, %ne3A_41 : i1
      %sub3A = arith.constant 1 : i32
      %sub3A_42 = arith.subi %div3A, %sub3A : i32
      %select_n3A = arith.select %and3A, %sub3A_42, %div3A : i32
      %jit3A_43 = arith.constant 8 : i32
      %eq3A = arith.constant 0 : i32
      %eq3A_44 = arith.cmpi eq, %jit3A_43, %eq3A : i32
      %jit3A_45 = arith.constant 1 : i32
      %select_n3A_46 = arith.select %eq3A_44, %jit3A_45, %jit3A_43 : i32
      %rem3A_47 = arith.remsi %scan3A_25, %select_n3A_46 : i32
      %ne3A_48 = arith.constant 0 : i32
      %ne3A_49 = arith.cmpi ne, %rem3A_47, %ne3A_48 : i32
      %lt3A = arith.constant 0 : i32
      %lt3A_50 = arith.cmpi slt, %rem3A_47, %lt3A : i32
      %lt3A_51 = arith.constant 0 : i32
      %lt3A_52 = arith.cmpi slt, %select_n3A_46, %lt3A_51 : i32
      %ne3A_53 = arith.xori %lt3A_50, %lt3A_52 : i1
      %and3A_54 = arith.andi %ne3A_53, %ne3A_49 : i1
      %add3A_55 = arith.addi %rem3A_47, %select_n3A_46 : i32
      %select_n3A_56 = arith.select %and3A_54, %add3A_55, %rem3A_47 : i32
      %mul3A_57 = arith.constant 16 : i32
      %mul3A_58 = arith.muli %select_n3A_56, %mul3A_57 : i32
      %swap3A = arith.index_cast %select_n3A : i32 to index
      %swap3A_59 = arith.index_cast %mul3A_58 : i32 to index
      %swap3A_60 = tpu.vector_load %arg9[%swap3A, %swap3A_59] {strides = array<i32>} : memref<64x128xf32, #tpu.memory_space<vmem>>, vector<1x16xf32>,
      %swap3A_61 = vector.shape_cast %swap3A_60 : vector<1x16xf32> to vector<16xf32>
      %swap3A_62 = vector.shape_cast %broadcast_in_dim3A_26 : vector<16xf32> to vector<1x16xf32>
      tpu.vector_store %arg9[%swap3A, %swap3A_59], %swap3A_62 {strides = array<i32>} : memref<64x128xf32, #tpu.memory_space<vmem>>, vector<1x16xf32>,
    }
    %scan3A_5 = arith.constant 512 : i32
    %scan3A_6 = arith.constant 0 : i32
    %scan3A_7 = arith.constant 0 : i32
    %scan3A_8 = arith.constant 10 : i32
    %scan3A_9 = arith.addi %scan3A_7, %scan3A_8 : i32
    %scan3A_10 = arith.constant 1 : i32
    scf.for %scan3A_25 = %scan3A_7 to %scan3A_9 step %scan3A_10  : i32 {
      %mul3A_26 = arith.constant 640 : i32
      %mul3A_27 = arith.muli %arg1, %mul3A_26 : i32
      %mul3A_28 = arith.constant 64 : i32
      %mul3A_29 = arith.muli %scan3A_25, %mul3A_28 : i32
      %add3A_30 = arith.addi %mul3A_27, %mul3A_29 : i32
      "tpu.region"() ({
        %run_scoped3A = tpu.sem_alloc : memref<!tpu.dma_semaphore, #tpu.memory_space<semaphore_mem>>
        %dma_start3A = arith.constant 0 : i32
        %dma_start3A_31 = tpu.memref_slice %arg10[%add3A_30, %dma_start3A] : memref<10240x128xf32, #tpu.memory_space<vmem_shared>> -> memref<64x128xf32, #tpu.memory_space<vmem_shared>>
        %dma_start3A_32 = arith.constant 0 : i32
        %dma_start3A_33 = tpu.memref_slice %arg10[%add3A_30, %dma_start3A_32] : memref<10240x128xf32, #tpu.memory_space<vmem_shared>> -> memref<64x128xf32, #tpu.memory_space<vmem_shared>>
        tpu.enqueue_dma source(%arg9 : memref<64x128xf32, #tpu.memory_space<vmem>>) target(%dma_start3A_33 : memref<64x128xf32, #tpu.memory_space<vmem_shared>>) target_semaphore(%run_scoped3A : memref<!tpu.dma_semaphore, #tpu.memory_space<semaphore_mem>>)
        %dma_wait3A = arith.constant 0 : i32
        %dma_wait3A_34 = tpu.memref_slice %arg10[%add3A_30, %dma_wait3A] : memref<10240x128xf32, #tpu.memory_space<vmem_shared>> -> memref<64x128xf32, #tpu.memory_space<vmem_shared>>
        %dma_wait3A_35 = arith.constant 0 : i32
        %dma_wait3A_36 = tpu.memref_slice %arg10[%add3A_30, %dma_wait3A_35] : memref<10240x128xf32, #tpu.memory_space<vmem_shared>> -> memref<64x128xf32, #tpu.memory_space<vmem_shared>>
        tpu.wait_dma2 semaphore(%run_scoped3A : memref<!tpu.dma_semaphore, #tpu.memory_space<semaphore_mem>>) src(%arg9 : memref<64x128xf32, #tpu.memory_space<vmem>>) dst(%dma_wait3A_36 : memref<64x128xf32, #tpu.memory_space<vmem_shared>>)
        tpu.yield
      }) : () -> ()
    }
    %scan3A_11 = arith.constant 10 : i32
    %barrier3A = arith.constant 0 : index
    tpu.barrier barrier_id(%barrier3A)
    %mul3A_12 = arith.constant 10240 : i32
    %mul3A_13 = arith.muli %add3A, %mul3A_12 : i32
    %scan3A_14 = arith.constant 0 : i32
    %scan3A_15 = arith.constant 0 : i32
    %scan3A_16 = arith.constant 80 : i32
    %scan3A_17 = arith.addi %scan3A_15, %scan3A_16 : i32
    %scan3A_18 = arith.constant 1 : i32
    scf.for %scan3A_25 = %scan3A_15 to %scan3A_17 step %scan3A_18  : i32 {
      %mul3A_26 = arith.constant 128 : i32
      %mul3A_27 = arith.muli %scan3A_25, %mul3A_26 : i32
      %add3A_28 = arith.addi %mul3A_13, %mul3A_27 : i32
      "tpu.region"() ({
        %run_scoped3A = tpu.sem_alloc : memref<!tpu.dma_semaphore, #tpu.memory_space<semaphore_mem>>
        %dma_start3A_33 = tpu.memref_slice %arg3[%add3A_28] : memref<327680xi32, #tpu.memory_space<hbm>> -> memref<128xi32, #tpu.memory_space<hbm>>
        %dma_start3A_34 = tpu.memref_slice %arg3[%add3A_28] : memref<327680xi32, #tpu.memory_space<hbm>> -> memref<128xi32, #tpu.memory_space<hbm>>
        tpu.enqueue_dma source(%dma_start3A_34 : memref<128xi32, #tpu.memory_space<hbm>>) target(%arg6 : memref<128xi32, #tpu.memory_space<vmem>>) target_semaphore(%run_scoped3A : memref<!tpu.dma_semaphore, #tpu.memory_space<semaphore_mem>>)
        %dma_wait3A_35 = tpu.memref_slice %arg3[%add3A_28] : memref<327680xi32, #tpu.memory_space<hbm>> -> memref<128xi32, #tpu.memory_space<hbm>>
        %dma_wait3A_36 = tpu.memref_slice %arg3[%add3A_28] : memref<327680xi32, #tpu.memory_space<hbm>> -> memref<128xi32, #tpu.memory_space<hbm>>
        tpu.wait_dma2 semaphore(%run_scoped3A : memref<!tpu.dma_semaphore, #tpu.memory_space<semaphore_mem>>) src(%dma_wait3A_36 : memref<128xi32, #tpu.memory_space<hbm>>) dst(%arg6 : memref<128xi32, #tpu.memory_space<vmem>>)
        tpu.yield
      }) : () -> ()
      "tpu.region"() ({
        %run_scoped3A = tpu.sem_alloc : memref<!tpu.dma_semaphore, #tpu.memory_space<semaphore_mem>>
        %dma_start3A_33 = tpu.memref_slice %arg4[%add3A_28] : memref<327680xi32, #tpu.memory_space<hbm>> -> memref<128xi32, #tpu.memory_space<hbm>>
        %dma_start3A_34 = tpu.memref_slice %arg4[%add3A_28] : memref<327680xi32, #tpu.memory_space<hbm>> -> memref<128xi32, #tpu.memory_space<hbm>>
        tpu.enqueue_dma source(%dma_start3A_34 : memref<128xi32, #tpu.memory_space<hbm>>) target(%arg7 : memref<128xi32, #tpu.memory_space<vmem>>) target_semaphore(%run_scoped3A : memref<!tpu.dma_semaphore, #tpu.memory_space<semaphore_mem>>)
        %dma_wait3A_35 = tpu.memref_slice %arg4[%add3A_28] : memref<327680xi32, #tpu.memory_space<hbm>> -> memref<128xi32, #tpu.memory_space<hbm>>
        %dma_wait3A_36 = tpu.memref_slice %arg4[%add3A_28] : memref<327680xi32, #tpu.memory_space<hbm>> -> memref<128xi32, #tpu.memory_space<hbm>>
        tpu.wait_dma2 semaphore(%run_scoped3A : memref<!tpu.dma_semaphore, #tpu.memory_space<semaphore_mem>>) src(%dma_wait3A_36 : memref<128xi32, #tpu.memory_space<hbm>>) dst(%arg7 : memref<128xi32, #tpu.memory_space<vmem>>)
        tpu.yield
      }) : () -> ()
      %dma_start3A = arith.constant 0 : i32
      %dma_start3A_29 = arith.constant 0 : i32
      %dma_start3A_30 = tpu.memref_slice %arg2[%dma_start3A, %dma_start3A_29] : memref<10000x128xf32, #tpu.memory_space<hbm>> -> memref<10000x128xf32, #tpu.memory_space<hbm>>
      tpu.enqueue_indirect_dma source(%dma_start3A_30 : memref<10000x128xf32, #tpu.memory_space<hbm>>) target(%arg8 : memref<128x128xf32, #tpu.memory_space<vmem>>) offsets(%arg6 : memref<128xi32, #tpu.memory_space<vmem>>) semaphore(%arg11 : memref<!tpu.dma_semaphore, #tpu.memory_space<semaphore_mem>>)
      %dma_wait3A = arith.constant 0 : i32
      %dma_wait3A_31 = arith.constant 0 : i32
      %dma_wait3A_32 = tpu.memref_slice %arg2[%dma_wait3A, %dma_wait3A_31] : memref<10000x128xf32, #tpu.memory_space<hbm>> -> memref<10000x128xf32, #tpu.memory_space<hbm>>
      tpu.wait_indirect_dma semaphore(%arg11 : memref<!tpu.dma_semaphore, #tpu.memory_space<semaphore_mem>>) src(%dma_wait3A_32 : memref<10000x128xf32, #tpu.memory_space<hbm>>) dst(%arg8 : memref<128x128xf32, #tpu.memory_space<vmem>>)
      "tpu.region"() ({
        %run_scoped3A = tpu.sem_alloc : memref<!tpu.dma_semaphore, #tpu.memory_space<semaphore_mem>>
        %dma_start3A_33 = arith.constant 0 : i32
        %dma_start3A_34 = arith.constant 0 : i32
        %dma_start3A_35 = tpu.memref_slice %arg10[%dma_start3A_33, %dma_start3A_34] : memref<10240x128xf32, #tpu.memory_space<vmem_shared>> -> memref<10240x128xf32, #tpu.memory_space<vmem_shared>>
        tpu.enqueue_indirect_dma source(%arg8 : memref<128x128xf32, #tpu.memory_space<vmem>>) target(%dma_start3A_35 : memref<10240x128xf32, #tpu.memory_space<vmem_shared>>) offsets(%arg7 : memref<128xi32, #tpu.memory_space<vmem>>) semaphore(%run_scoped3A : memref<!tpu.dma_semaphore, #tpu.memory_space<semaphore_mem>>) {add = true}
        %dma_wait3A_36 = arith.constant 0 : i32
        %dma_wait3A_37 = arith.constant 0 : i32
        %dma_wait3A_38 = tpu.memref_slice %arg10[%dma_wait3A_36, %dma_wait3A_37] : memref<10240x128xf32, #tpu.memory_space<vmem_shared>> -> memref<10240x128xf32, #tpu.memory_space<vmem_shared>>
        tpu.wait_indirect_dma semaphore(%run_scoped3A : memref<!tpu.dma_semaphore, #tpu.memory_space<semaphore_mem>>) src(%arg8 : memref<128x128xf32, #tpu.memory_space<vmem>>) dst(%dma_wait3A_38 : memref<10240x128xf32, #tpu.memory_space<vmem_shared>>)
        tpu.yield
      }) : () -> ()
    }
    %scan3A_19 = arith.constant 80 : i32
    %barrier3A_20 = arith.constant 0 : index
    tpu.barrier barrier_id(%barrier3A_20)
    %mul3A_21 = arith.constant 640 : i32
    %mul3A_22 = arith.muli %arg1, %mul3A_21 : i32
    %mul3A_23 = arith.constant 640 : i32
    %mul3A_24 = arith.muli %arg1, %mul3A_23 : i32
    "tpu.region"() ({
      %run_scoped3A = tpu.sem_alloc : memref<!tpu.dma_semaphore, #tpu.memory_space<semaphore_mem>>
      %dma_start3A = arith.constant 0 : i32
      %dma_start3A_25 = arith.constant 0 : i32
      %dma_start3A_26 = tpu.memref_slice %arg5[%arg0, %dma_start3A, %dma_start3A_25] : memref<2x10240x128xf32, #tpu.memory_space<hbm>> -> memref<1x10240x128xf32, #tpu.memory_space<hbm>>
      %dma_start3A_27 = tpu.memref_squeeze %dma_start3A_26 : memref<1x10240x128xf32, #tpu.memory_space<hbm>> -> memref<10240x128xf32, #tpu.memory_space<hbm>>
      %dma_start3A_28 = arith.constant 0 : i32
      %dma_start3A_29 = tpu.memref_slice %dma_start3A_27[%mul3A_24, %dma_start3A_28] : memref<10240x128xf32, #tpu.memory_space<hbm>> -> memref<640x128xf32, #tpu.memory_space<hbm>>
      %dma_start3A_30 = arith.constant 0 : i32
      %dma_start3A_31 = tpu.memref_slice %arg10[%mul3A_22, %dma_start3A_30] : memref<10240x128xf32, #tpu.memory_space<vmem_shared>> -> memref<640x128xf32, #tpu.memory_space<vmem_shared>>
      tpu.enqueue_dma source(%dma_start3A_31 : memref<640x128xf32, #tpu.memory_space<vmem_shared>>) target(%dma_start3A_29 : memref<640x128xf32, #tpu.memory_space<hbm>>) target_semaphore(%run_scoped3A : memref<!tpu.dma_semaphore, #tpu.memory_space<semaphore_mem>>)
      %dma_wait3A = arith.constant 0 : i32
      %dma_wait3A_32 = arith.constant 0 : i32
      %dma_wait3A_33 = tpu.memref_slice %arg5[%arg0, %dma_wait3A, %dma_wait3A_32] : memref<2x10240x128xf32, #tpu.memory_space<hbm>> -> memref<1x10240x128xf32, #tpu.memory_space<hbm>>
      %dma_wait3A_34 = tpu.memref_squeeze %dma_wait3A_33 : memref<1x10240x128xf32, #tpu.memory_space<hbm>> -> memref<10240x128xf32, #tpu.memory_space<hbm>>
      %dma_wait3A_35 = arith.constant 0 : i32
      %dma_wait3A_36 = tpu.memref_slice %dma_wait3A_34[%mul3A_24, %dma_wait3A_35] : memref<10240x128xf32, #tpu.memory_space<hbm>> -> memref<640x128xf32, #tpu.memory_space<hbm>>
      %dma_wait3A_37 = arith.constant 0 : i32
      %dma_wait3A_38 = tpu.memref_slice %arg10[%mul3A_22, %dma_wait3A_37] : memref<10240x128xf32, #tpu.memory_space<vmem_shared>> -> memref<640x128xf32, #tpu.memory_space<vmem_shared>>
      tpu.wait_dma2 semaphore(%run_scoped3A : memref<!tpu.dma_semaphore, #tpu.memory_space<semaphore_mem>>) src(%dma_wait3A_38 : memref<640x128xf32, #tpu.memory_space<vmem_shared>>) dst(%dma_wait3A_36 : memref<640x128xf32, #tpu.memory_space<hbm>>)
      tpu.yield
    }) : () -> ()
    return
  }
}

#map = affine_map<(d0, d1) -> (0, 0)>
#map1 = affine_map<(d0, d1) -> (0)>
#map2 = affine_map<(d0, d1) -> (0, 0, 0)>
module attributes {stable_mosaic.version = 14 : i64} {
  func.func @_spmm_body(%arg0: i32, %arg1: i32, %arg2: memref<10000x128xf32, #tpu.memory_space<hbm>>, %arg3: memref<327680xi32, #tpu.memory_space<hbm>>, %arg4: memref<327680xi32, #tpu.memory_space<hbm>>, %arg5: memref<2x10240x128xf32, #tpu.memory_space<hbm>>, %arg6: memref<128xi32, #tpu.memory_space<vmem>>, %arg7: memref<128xi32, #tpu.memory_space<vmem>>, %arg8: memref<128x128xf32, #tpu.memory_space<vmem>>, %arg9: memref<64x128xf32, #tpu.memory_space<vmem>>, %arg10: memref<10240x128xf32, #tpu.memory_space<vmem_shared>>, %arg11: memref<!tpu.dma_semaphore, #tpu.memory_space<semaphore_mem>>) attributes {dimension_semantics = [#tpu.dimension_semantics<core_parallel>, #tpu.dimension_semantics<subcore_parallel>], iteration_bounds = array<i64: 2, 16>, scalar_prefetch = 0 : i64, scratch_operands = 6 : i64, tpu.core_type = #tpu.core_type<sc_vector_subcore>, window_params = [{transform_indices = #map}, {transform_indices = #map1}, {transform_indices = #map1}, {transform_indices = #map2}]} {
    %mul3A = arith.constant 16 : i32
    %mul3A_0 = arith.muli %arg0, %mul3A : i32
    %add3A = arith.addi %mul3A_0, %arg1 : i32
    %scan3A = arith.constant 0 : i32
    %scan3A_1 = arith.constant 0 : i32
    %scan3A_2 = arith.constant 512 : i32
    %scan3A_3 = arith.addi %scan3A_1, %scan3A_2 : i32
    %scan3A_4 = arith.constant 1 : i32
    scf.for %scan3A_25 = %scan3A_1 to %scan3A_3 step %scan3A_4  : i32 {
      %broadcast_in_dim3A = arith.constant 0.000000e+00 : f32
      %broadcast_in_dim3A_26 = vector.broadcast %broadcast_in_dim3A : f32 to vector<16xf32>
      %jit3A = arith.constant 8 : i32
      %div3A = arith.divsi %scan3A_25, %jit3A : i32
      %sign3A = arith.constant 0 : i32
      %sign3A_27 = arith.cmpi sgt, %scan3A_25, %sign3A : i32
      %sign3A_28 = arith.extui %sign3A_27 : i1 to i32
      %sign3A_29 = arith.constant 0 : i32
      %sign3A_30 = arith.cmpi slt, %scan3A_25, %sign3A_29 : i32
      %sign3A_31 = arith.extui %sign3A_30 : i1 to i32
      %sign3A_32 = arith.subi %sign3A_28, %sign3A_31 : i32
      %sign3A_33 = arith.constant 0 : i32
      %sign3A_34 = arith.cmpi sgt, %jit3A, %sign3A_33 : i32
      %sign3A_35 = arith.extui %sign3A_34 : i1 to i32
      %sign3A_36 = arith.constant 0 : i32
      %sign3A_37 = arith.cmpi slt, %jit3A, %sign3A_36 : i32
      %sign3A_38 = arith.extui %sign3A_37 : i1 to i32
      %sign3A_39 = arith.subi %sign3A_35, %sign3A_38 : i32
      %ne3A = arith.cmpi ne, %sign3A_32, %sign3A_39 : i32
      %rem3A = arith.remsi %scan3A_25, %jit3A : i32
      %ne3A_40 = arith.constant 0 : i32
      %ne3A_41 = arith.cmpi ne, %rem3A, %ne3A_40 : i32
      %and3A = arith.andi %ne3A, %ne3A_41 : i1
      %sub3A = arith.constant 1 : i32
      %sub3A_42 = arith.subi %div3A, %sub3A : i32
      %select_n3A = arith.select %and3A, %sub3A_42, %div3A : i32
      %jit3A_43 = arith.constant 8 : i32
      %eq3A = arith.constant 0 : i32
      %eq3A_44 = arith.cmpi eq, %jit3A_43, %eq3A : i32
      %jit3A_45 = arith.constant 1 : i32
      %select_n3A_46 = arith.select %eq3A_44, %jit3A_45, %jit3A_43 : i32
      %rem3A_47 = arith.remsi %scan3A_25, %select_n3A_46 : i32
      %ne3A_48 = arith.constant 0 : i32
      %ne3A_49 = arith.cmpi ne, %rem3A_47, %ne3A_48 : i32
      %lt3A = arith.constant 0 : i32
      %lt3A_50 = arith.cmpi slt, %rem3A_47, %lt3A : i32
      %lt3A_51 = arith.constant 0 : i32
      %lt3A_52 = arith.cmpi slt, %select_n3A_46, %lt3A_51 : i32
      %ne3A_53 = arith.xori %lt3A_50, %lt3A_52 : i1
      %and3A_54 = arith.andi %ne3A_53, %ne3A_49 : i1
      %add3A_55 = arith.addi %rem3A_47, %select_n3A_46 : i32
      %select_n3A_56 = arith.select %and3A_54, %add3A_55, %rem3A_47 : i32
      %mul3A_57 = arith.constant 16 : i32
      %mul3A_58 = arith.muli %select_n3A_56, %mul3A_57 : i32
      %swap3A = arith.index_cast %select_n3A : i32 to index
      %swap3A_59 = arith.index_cast %mul3A_58 : i32 to index
      %swap3A_60 = tpu.vector_load %arg9[%swap3A, %swap3A_59] {strides = array<i32>} : memref<64x128xf32, #tpu.memory_space<vmem>>, vector<1x16xf32>,
      %swap3A_61 = vector.shape_cast %swap3A_60 : vector<1x16xf32> to vector<16xf32>
      %swap3A_62 = vector.shape_cast %broadcast_in_dim3A_26 : vector<16xf32> to vector<1x16xf32>
      tpu.vector_store %arg9[%swap3A, %swap3A_59], %swap3A_62 {strides = array<i32>} : memref<64x128xf32, #tpu.memory_space<vmem>>, vector<1x16xf32>,
    }
    %scan3A_5 = arith.constant 512 : i32
    %scan3A_6 = arith.constant 0 : i32
    %scan3A_7 = arith.constant 0 : i32
    %scan3A_8 = arith.constant 10 : i32
    %scan3A_9 = arith.addi %scan3A_7, %scan3A_8 : i32
    %scan3A_10 = arith.constant 1 : i32
    scf.for %scan3A_25 = %scan3A_7 to %scan3A_9 step %scan3A_10  : i32 {
      %mul3A_26 = arith.constant 640 : i32
      %mul3A_27 = arith.muli %arg1, %mul3A_26 : i32
      %mul3A_28 = arith.constant 64 : i32
      %mul3A_29 = arith.muli %scan3A_25, %mul3A_28 : i32
      %add3A_30 = arith.addi %mul3A_27, %mul3A_29 : i32
      "tpu.region"() ({
        %run_scoped3A = tpu.sem_alloc : memref<!tpu.dma_semaphore, #tpu.memory_space<semaphore_mem>>
        %dma_start3A = arith.constant 0 : i32
        %dma_start3A_31 = tpu.memref_slice %arg10[%add3A_30, %dma_start3A] : memref<10240x128xf32, #tpu.memory_space<vmem_shared>> -> memref<64x128xf32, #tpu.memory_space<vmem_shared>>
        %dma_start3A_32 = arith.constant 0 : i32
        %dma_start3A_33 = tpu.memref_slice %arg10[%add3A_30, %dma_start3A_32] : memref<10240x128xf32, #tpu.memory_space<vmem_shared>> -> memref<64x128xf32, #tpu.memory_space<vmem_shared>>
        tpu.enqueue_dma source(%arg9 : memref<64x128xf32, #tpu.memory_space<vmem>>) target(%dma_start3A_33 : memref<64x128xf32, #tpu.memory_space<vmem_shared>>) target_semaphore(%run_scoped3A : memref<!tpu.dma_semaphore, #tpu.memory_space<semaphore_mem>>)
        %dma_wait3A = arith.constant 0 : i32
        %dma_wait3A_34 = tpu.memref_slice %arg10[%add3A_30, %dma_wait3A] : memref<10240x128xf32, #tpu.memory_space<vmem_shared>> -> memref<64x128xf32, #tpu.memory_space<vmem_shared>>
        %dma_wait3A_35 = arith.constant 0 : i32
        %dma_wait3A_36 = tpu.memref_slice %arg10[%add3A_30, %dma_wait3A_35] : memref<10240x128xf32, #tpu.memory_space<vmem_shared>> -> memref<64x128xf32, #tpu.memory_space<vmem_shared>>
        tpu.wait_dma2 semaphore(%run_scoped3A : memref<!tpu.dma_semaphore, #tpu.memory_space<semaphore_mem>>) src(%arg9 : memref<64x128xf32, #tpu.memory_space<vmem>>) dst(%dma_wait3A_36 : memref<64x128xf32, #tpu.memory_space<vmem_shared>>)
        tpu.yield
      }) : () -> ()
    }
    %scan3A_11 = arith.constant 10 : i32
    %barrier3A = arith.constant 0 : index
    tpu.barrier barrier_id(%barrier3A)
    %mul3A_12 = arith.constant 10240 : i32
    %mul3A_13 = arith.muli %add3A, %mul3A_12 : i32
    %scan3A_14 = arith.constant 0 : i32
    %scan3A_15 = arith.constant 0 : i32
    %scan3A_16 = arith.constant 80 : i32
    %scan3A_17 = arith.addi %scan3A_15, %scan3A_16 : i32
    %scan3A_18 = arith.constant 1 : i32
    scf.for %scan3A_25 = %scan3A_15 to %scan3A_17 step %scan3A_18  : i32 {
      %mul3A_26 = arith.constant 128 : i32
      %mul3A_27 = arith.muli %scan3A_25, %mul3A_26 : i32
      %add3A_28 = arith.addi %mul3A_13, %mul3A_27 : i32
      "tpu.region"() ({
        %run_scoped3A = tpu.sem_alloc : memref<!tpu.dma_semaphore, #tpu.memory_space<semaphore_mem>>
        %dma_start3A_33 = tpu.memref_slice %arg3[%add3A_28] : memref<327680xi32, #tpu.memory_space<hbm>> -> memref<128xi32, #tpu.memory_space<hbm>>
        %dma_start3A_34 = tpu.memref_slice %arg3[%add3A_28] : memref<327680xi32, #tpu.memory_space<hbm>> -> memref<128xi32, #tpu.memory_space<hbm>>
        tpu.enqueue_dma source(%dma_start3A_34 : memref<128xi32, #tpu.memory_space<hbm>>) target(%arg6 : memref<128xi32, #tpu.memory_space<vmem>>) target_semaphore(%run_scoped3A : memref<!tpu.dma_semaphore, #tpu.memory_space<semaphore_mem>>)
        %dma_wait3A_35 = tpu.memref_slice %arg3[%add3A_28] : memref<327680xi32, #tpu.memory_space<hbm>> -> memref<128xi32, #tpu.memory_space<hbm>>
        %dma_wait3A_36 = tpu.memref_slice %arg3[%add3A_28] : memref<327680xi32, #tpu.memory_space<hbm>> -> memref<128xi32, #tpu.memory_space<hbm>>
        tpu.wait_dma2 semaphore(%run_scoped3A : memref<!tpu.dma_semaphore, #tpu.memory_space<semaphore_mem>>) src(%dma_wait3A_36 : memref<128xi32, #tpu.memory_space<hbm>>) dst(%arg6 : memref<128xi32, #tpu.memory_space<vmem>>)
        tpu.yield
      }) : () -> ()
      "tpu.region"() ({
        %run_scoped3A = tpu.sem_alloc : memref<!tpu.dma_semaphore, #tpu.memory_space<semaphore_mem>>
        %dma_start3A_33 = tpu.memref_slice %arg4[%add3A_28] : memref<327680xi32, #tpu.memory_space<hbm>> -> memref<128xi32, #tpu.memory_space<hbm>>
        %dma_start3A_34 = tpu.memref_slice %arg4[%add3A_28] : memref<327680xi32, #tpu.memory_space<hbm>> -> memref<128xi32, #tpu.memory_space<hbm>>
        tpu.enqueue_dma source(%dma_start3A_34 : memref<128xi32, #tpu.memory_space<hbm>>) target(%arg7 : memref<128xi32, #tpu.memory_space<vmem>>) target_semaphore(%run_scoped3A : memref<!tpu.dma_semaphore, #tpu.memory_space<semaphore_mem>>)
        %dma_wait3A_35 = tpu.memref_slice %arg4[%add3A_28] : memref<327680xi32, #tpu.memory_space<hbm>> -> memref<128xi32, #tpu.memory_space<hbm>>
        %dma_wait3A_36 = tpu.memref_slice %arg4[%add3A_28] : memref<327680xi32, #tpu.memory_space<hbm>> -> memref<128xi32, #tpu.memory_space<hbm>>
        tpu.wait_dma2 semaphore(%run_scoped3A : memref<!tpu.dma_semaphore, #tpu.memory_space<semaphore_mem>>) src(%dma_wait3A_36 : memref<128xi32, #tpu.memory_space<hbm>>) dst(%arg7 : memref<128xi32, #tpu.memory_space<vmem>>)
        tpu.yield
      }) : () -> ()
      %dma_start3A = arith.constant 0 : i32
      %dma_start3A_29 = arith.constant 0 : i32
      %dma_start3A_30 = tpu.memref_slice %arg2[%dma_start3A, %dma_start3A_29] : memref<10000x128xf32, #tpu.memory_space<hbm>> -> memref<10000x128xf32, #tpu.memory_space<hbm>>
      tpu.enqueue_indirect_dma source(%dma_start3A_30 : memref<10000x128xf32, #tpu.memory_space<hbm>>) target(%arg8 : memref<128x128xf32, #tpu.memory_space<vmem>>) offsets(%arg6 : memref<128xi32, #tpu.memory_space<vmem>>) semaphore(%arg11 : memref<!tpu.dma_semaphore, #tpu.memory_space<semaphore_mem>>)
      %dma_wait3A = arith.constant 0 : i32
      %dma_wait3A_31 = arith.constant 0 : i32
      %dma_wait3A_32 = tpu.memref_slice %arg2[%dma_wait3A, %dma_wait3A_31] : memref<10000x128xf32, #tpu.memory_space<hbm>> -> memref<10000x128xf32, #tpu.memory_space<hbm>>
      tpu.wait_indirect_dma semaphore(%arg11 : memref<!tpu.dma_semaphore, #tpu.memory_space<semaphore_mem>>) src(%dma_wait3A_32 : memref<10000x128xf32, #tpu.memory_space<hbm>>) dst(%arg8 : memref<128x128xf32, #tpu.memory_space<vmem>>)
      "tpu.region"() ({
        %run_scoped3A = tpu.sem_alloc : memref<!tpu.dma_semaphore, #tpu.memory_space<semaphore_mem>>
        %dma_start3A_33 = arith.constant 0 : i32
        %dma_start3A_34 = arith.constant 0 : i32
        %dma_start3A_35 = tpu.memref_slice %arg10[%dma_start3A_33, %dma_start3A_34] : memref<10240x128xf32, #tpu.memory_space<vmem_shared>> -> memref<10240x128xf32, #tpu.memory_space<vmem_shared>>
        tpu.enqueue_indirect_dma source(%arg8 : memref<128x128xf32, #tpu.memory_space<vmem>>) target(%dma_start3A_35 : memref<10240x128xf32, #tpu.memory_space<vmem_shared>>) offsets(%arg7 : memref<128xi32, #tpu.memory_space<vmem>>) semaphore(%run_scoped3A : memref<!tpu.dma_semaphore, #tpu.memory_space<semaphore_mem>>) {add = true}
        %dma_wait3A_36 = arith.constant 0 : i32
        %dma_wait3A_37 = arith.constant 0 : i32
        %dma_wait3A_38 = tpu.memref_slice %arg10[%dma_wait3A_36, %dma_wait3A_37] : memref<10240x128xf32, #tpu.memory_space<vmem_shared>> -> memref<10240x128xf32, #tpu.memory_space<vmem_shared>>
        tpu.wait_indirect_dma semaphore(%run_scoped3A : memref<!tpu.dma_semaphore, #tpu.memory_space<semaphore_mem>>) src(%arg8 : memref<128x128xf32, #tpu.memory_space<vmem>>) dst(%dma_wait3A_38 : memref<10240x128xf32, #tpu.memory_space<vmem_shared>>)
        tpu.yield
      }) : () -> ()
    }
    %scan3A_19 = arith.constant 80 : i32
    %barrier3A_20 = arith.constant 0 : index
    tpu.barrier barrier_id(%barrier3A_20)
    %mul3A_21 = arith.constant 640 : i32
    %mul3A_22 = arith.muli %arg1, %mul3A_21 : i32
    %mul3A_23 = arith.constant 640 : i32
    %mul3A_24 = arith.muli %arg1, %mul3A_23 : i32
    "tpu.region"() ({
      %run_scoped3A = tpu.sem_alloc : memref<!tpu.dma_semaphore, #tpu.memory_space<semaphore_mem>>
      %dma_start3A = arith.constant 0 : i32
      %dma_start3A_25 = arith.constant 0 : i32
      %dma_start3A_26 = tpu.memref_slice %arg5[%arg0, %dma_start3A, %dma_start3A_25] : memref<2x10240x128xf32, #tpu.memory_space<hbm>> -> memref<1x10240x128xf32, #tpu.memory_space<hbm>>
      %dma_start3A_27 = tpu.memref_squeeze %dma_start3A_26 : memref<1x10240x128xf32, #tpu.memory_space<hbm>> -> memref<10240x128xf32, #tpu.memory_space<hbm>>
      %dma_start3A_28 = arith.constant 0 : i32
      %dma_start3A_29 = tpu.memref_slice %dma_start3A_27[%mul3A_24, %dma_start3A_28] : memref<10240x128xf32, #tpu.memory_space<hbm>> -> memref<640x128xf32, #tpu.memory_space<hbm>>
      %dma_start3A_30 = arith.constant 0 : i32
      %dma_start3A_31 = tpu.memref_slice %arg10[%mul3A_22, %dma_start3A_30] : memref<10240x128xf32, #tpu.memory_space<vmem_shared>> -> memref<640x128xf32, #tpu.memory_space<vmem_shared>>
      tpu.enqueue_dma source(%dma_start3A_31 : memref<640x128xf32, #tpu.memory_space<vmem_shared>>) target(%dma_start3A_29 : memref<640x128xf32, #tpu.memory_space<hbm>>) target_semaphore(%run_scoped3A : memref<!tpu.dma_semaphore, #tpu.memory_space<semaphore_mem>>)
      %dma_wait3A = arith.constant 0 : i32
      %dma_wait3A_32 = arith.constant 0 : i32
      %dma_wait3A_33 = tpu.memref_slice %arg5[%arg0, %dma_wait3A, %dma_wait3A_32] : memref<2x10240x128xf32, #tpu.memory_space<hbm>> -> memref<1x10240x128xf32, #tpu.memory_space<hbm>>
      %dma_wait3A_34 = tpu.memref_squeeze %dma_wait3A_33 : memref<1x10240x128xf32, #tpu.memory_space<hbm>> -> memref<10240x128xf32, #tpu.memory_space<hbm>>
      %dma_wait3A_35 = arith.constant 0 : i32
      %dma_wait3A_36 = tpu.memref_slice %dma_wait3A_34[%mul3A_24, %dma_wait3A_35] : memref<10240x128xf32, #tpu.memory_space<hbm>> -> memref<640x128xf32, #tpu.memory_space<hbm>>
      %dma_wait3A_37 = arith.constant 0 : i32
      %dma_wait3A_38 = tpu.memref_slice %arg10[%mul3A_22, %dma_wait3A_37] : memref<10240x128xf32, #tpu.memory_space<vmem_shared>> -> memref<640x128xf32, #tpu.memory_space<vmem_shared>>
      tpu.wait_dma2 semaphore(%run_scoped3A : memref<!tpu.dma_semaphore, #tpu.memory_space<semaphore_mem>>) src(%dma_wait3A_38 : memref<640x128xf32, #tpu.memory_space<vmem_shared>>) dst(%dma_wait3A_36 : memref<640x128xf32, #tpu.memory_space<hbm>>)
      tpu.yield
    }) : () -> ()
    return
  }
}

module attributes {stable_mosaic.version = 14 : i64} {
  func.func @_dinv_body(%arg0: i32, %arg1: memref<2x2048x128xf32, #tpu.memory_space<vmem>>, %arg2: memref<2048xf32, #tpu.memory_space<vmem>>) attributes {dimension_semantics = [#tpu.dimension_semantics<arbitrary>], iteration_bounds = array<i64: 5>, scalar_prefetch = 0 : i64, scratch_operands = 0 : i64, tpu.core_type = #tpu.core_type<tc>, window_params = [{transform_indices = @transform_0, window_bounds = array<i64: 2, 2048, 128>}, {transform_indices = @transform_1, window_bounds = array<i64: 2048>}]} {
    %get3A = arith.constant 0 : index
    %get3A_0 = arith.constant 0 : index
    %get3A_1 = arith.constant 0 : index
    %get3A_2 = vector.load %arg1[%get3A, %get3A_0, %get3A_1] : memref<2x2048x128xf32, #tpu.memory_space<vmem>>, vector<2x2048x128xf32>
    %reduce_sum3A = arith.constant dense<0.000000e+00> : vector<2048xf32>
    %reduce_sum3A_3 = vector.multi_reduction <add>, %get3A_2, %reduce_sum3A [0, 2] : vector<2x2048x128xf32> to vector<2048xf32>
    %mul3A = arith.constant 7.812500e-03 : f32
    %mul3A_4 = vector.broadcast %mul3A : f32 to vector<2048xf32>
    %mul3A_5 = arith.mulf %reduce_sum3A_3, %mul3A_4 : vector<2048xf32>
    %add3A = arith.constant 1.000000e+00 : f32
    %add3A_6 = vector.broadcast %add3A : f32 to vector<2048xf32>
    %add3A_7 = arith.addf %mul3A_5, %add3A_6 : vector<2048xf32>
    %rsqrt3A = math.rsqrt %add3A_7 : vector<2048xf32>
    %swap3A = arith.constant 0 : index
    %swap3A_8 = vector.load %arg2[%swap3A] : memref<2048xf32, #tpu.memory_space<vmem>>, vector<2048xf32>
    tpu.vector_store %arg2[%swap3A], %rsqrt3A {strides = array<i32>} : memref<2048xf32, #tpu.memory_space<vmem>>, vector<2048xf32>,
    return
  }
  func.func @transform_0(%arg0: i32) -> (i32, i32, i32) {
    %c0_i32 = arith.constant 0 : i32
    %c0_i32_0 = arith.constant 0 : i32
    %c0_i32_1 = arith.constant 0 : i32
    return %c0_i32, %arg0, %c0_i32_0 : i32, i32, i32
  }
  func.func @transform_1(%arg0: i32) -> i32 {
    %c0_i32 = arith.constant 0 : i32
    return %arg0 : i32
  }
}

module attributes {stable_mosaic.version = 14 : i64} {
  func.func @_k1_body(%arg0: i32, %arg1: memref<2000x128xf32, #tpu.memory_space<vmem>>, %arg2: memref<128x128xf32, #tpu.memory_space<vmem>>, %arg3: memref<1x128xf32, #tpu.memory_space<vmem>>, %arg4: memref<128x128xf32, #tpu.memory_space<vmem>>, %arg5: memref<2000x1xf32, #tpu.memory_space<vmem>>, %arg6: memref<2000x128xf32, #tpu.memory_space<vmem>>, %arg7: memref<2000x128xf32, #tpu.memory_space<vmem>>) attributes {dimension_semantics = [#tpu.dimension_semantics<arbitrary>], iteration_bounds = array<i64: 5>, scalar_prefetch = 0 : i64, scratch_operands = 0 : i64, tpu.core_type = #tpu.core_type<tc>, window_params = [{transform_indices = @transform_0, window_bounds = array<i64: 2000, 128>}, {pipeline_mode = #tpu.pipeline_mode<synchronous>, transform_indices = @transform_1, window_bounds = array<i64: 128, 128>}, {pipeline_mode = #tpu.pipeline_mode<synchronous>, transform_indices = @transform_2, window_bounds = array<i64: 1, 128>}, {pipeline_mode = #tpu.pipeline_mode<synchronous>, transform_indices = @transform_3, window_bounds = array<i64: 128, 128>}, {transform_indices = @transform_4, window_bounds = array<i64: 2000, 1>}, {transform_indices = @transform_5, window_bounds = array<i64: 2000, 128>}, {transform_indices = @transform_6, window_bounds = array<i64: 2000, 128>}]} {
    %get3A = arith.constant 0 : index
    %get3A_0 = arith.constant 0 : index
    %get3A_1 = vector.load %arg1[%get3A, %get3A_0] : memref<2000x128xf32, #tpu.memory_space<vmem>>, vector<2000x128xf32>
    %get3A_2 = arith.constant 0 : index
    %get3A_3 = arith.constant 0 : index
    %get3A_4 = vector.load %arg2[%get3A_2, %get3A_3] : memref<128x128xf32, #tpu.memory_space<vmem>>, vector<128x128xf32>
    %dot_general3A = arith.constant dense<0.000000e+00> : vector<2000x128xf32>
    %dot_general3A_5 = tpu.matmul %get3A_1, %get3A_4, %dot_general3A {dimension_numbers = #tpu.dot_dimension_numbers<[1], [0], [0], [1], [0, 0, 1, 1], [], []>, transpose_lhs_hint = false} : vector<2000x128xf32>, vector<128x128xf32>, vector<2000x128xf32> -> vector<2000x128xf32>
    %get3A_6 = arith.constant 0 : index
    %get3A_7 = arith.constant 0 : index
    %get3A_8 = vector.load %arg3[%get3A_6, %get3A_7] : memref<1x128xf32, #tpu.memory_space<vmem>>, vector<1x128xf32>
    %add3A = vector.broadcast %get3A_8 : vector<1x128xf32> to vector<2000x128xf32>
    %add3A_9 = arith.addf %dot_general3A_5, %add3A : vector<2000x128xf32>
    %swap3A = arith.constant 0 : index
    %swap3A_10 = arith.constant 0 : index
    %swap3A_11 = vector.load %arg6[%swap3A, %swap3A_10] : memref<2000x128xf32, #tpu.memory_space<vmem>>, vector<2000x128xf32>
    tpu.vector_store %arg6[%swap3A, %swap3A_10], %add3A_9 {strides = array<i32>} : memref<2000x128xf32, #tpu.memory_space<vmem>>, vector<2000x128xf32>,
    %get3A_12 = arith.constant 0 : index
    %get3A_13 = arith.constant 0 : index
    %get3A_14 = vector.load %arg4[%get3A_12, %get3A_13] : memref<128x128xf32, #tpu.memory_space<vmem>>, vector<128x128xf32>
    %dot_general3A_15 = arith.constant dense<0.000000e+00> : vector<2000x128xf32>
    %dot_general3A_16 = tpu.matmul %add3A_9, %get3A_14, %dot_general3A_15 {dimension_numbers = #tpu.dot_dimension_numbers<[1], [0], [0], [1], [0, 0, 1, 1], [], []>, transpose_lhs_hint = false} : vector<2000x128xf32>, vector<128x128xf32>, vector<2000x128xf32> -> vector<2000x128xf32>
    %get3A_17 = arith.constant 0 : index
    %get3A_18 = arith.constant 0 : index
    %get3A_19 = vector.load %arg5[%get3A_17, %get3A_18] : memref<2000x1xf32, #tpu.memory_space<vmem>>, vector<2000x1xf32>
    %mul3A = vector.broadcast %get3A_19 : vector<2000x1xf32> to vector<2000x128xf32>
    %mul3A_20 = arith.mulf %dot_general3A_16, %mul3A : vector<2000x128xf32>
    %swap3A_21 = arith.constant 0 : index
    %swap3A_22 = arith.constant 0 : index
    %swap3A_23 = vector.load %arg7[%swap3A_21, %swap3A_22] : memref<2000x128xf32, #tpu.memory_space<vmem>>, vector<2000x128xf32>
    tpu.vector_store %arg7[%swap3A_21, %swap3A_22], %mul3A_20 {strides = array<i32>} : memref<2000x128xf32, #tpu.memory_space<vmem>>, vector<2000x128xf32>,
    return
  }
  func.func @transform_0(%arg0: i32) -> (i32, i32) {
    %c0_i32 = arith.constant 0 : i32
    %c0_i32_0 = arith.constant 0 : i32
    return %arg0, %c0_i32 : i32, i32
  }
  func.func @transform_1(%arg0: i32) -> (i32, i32) {
    %c0_i32 = arith.constant 0 : i32
    %c0_i32_0 = arith.constant 0 : i32
    %c0_i32_1 = arith.constant 0 : i32
    return %c0_i32, %c0_i32_0 : i32, i32
  }
  func.func @transform_2(%arg0: i32) -> (i32, i32) {
    %c0_i32 = arith.constant 0 : i32
    %c0_i32_0 = arith.constant 0 : i32
    %c0_i32_1 = arith.constant 0 : i32
    return %c0_i32, %c0_i32_0 : i32, i32
  }
  func.func @transform_3(%arg0: i32) -> (i32, i32) {
    %c0_i32 = arith.constant 0 : i32
    %c0_i32_0 = arith.constant 0 : i32
    %c0_i32_1 = arith.constant 0 : i32
    return %c0_i32, %c0_i32_0 : i32, i32
  }
  func.func @transform_4(%arg0: i32) -> (i32, i32) {
    %c0_i32 = arith.constant 0 : i32
    %c0_i32_0 = arith.constant 0 : i32
    return %arg0, %c0_i32 : i32, i32
  }
  func.func @transform_5(%arg0: i32) -> (i32, i32) {
    %c0_i32 = arith.constant 0 : i32
    %c0_i32_0 = arith.constant 0 : i32
    return %arg0, %c0_i32 : i32, i32
  }
  func.func @transform_6(%arg0: i32) -> (i32, i32) {
    %c0_i32 = arith.constant 0 : i32
    %c0_i32_0 = arith.constant 0 : i32
    return %arg0, %c0_i32 : i32, i32
  }
}

module attributes {stable_mosaic.version = 14 : i64} {
  func.func @_k2_body(%arg0: i32, %arg1: memref<2x2000x128xf32, #tpu.memory_space<vmem>>, %arg2: memref<2000x128xf32, #tpu.memory_space<vmem>>, %arg3: memref<2000x1xf32, #tpu.memory_space<vmem>>, %arg4: memref<1x128xf32, #tpu.memory_space<vmem>>, %arg5: memref<128x128xf32, #tpu.memory_space<vmem>>, %arg6: memref<2000x128xf32, #tpu.memory_space<vmem>>, %arg7: memref<2000x128xf32, #tpu.memory_space<vmem>>) attributes {dimension_semantics = [#tpu.dimension_semantics<arbitrary>], iteration_bounds = array<i64: 5>, scalar_prefetch = 0 : i64, scratch_operands = 0 : i64, tpu.core_type = #tpu.core_type<tc>, window_params = [{transform_indices = @transform_0, window_bounds = array<i64: 2, 2000, 128>}, {transform_indices = @transform_1, window_bounds = array<i64: 2000, 128>}, {transform_indices = @transform_2, window_bounds = array<i64: 2000, 1>}, {pipeline_mode = #tpu.pipeline_mode<synchronous>, transform_indices = @transform_3, window_bounds = array<i64: 1, 128>}, {pipeline_mode = #tpu.pipeline_mode<synchronous>, transform_indices = @transform_4, window_bounds = array<i64: 128, 128>}, {transform_indices = @transform_5, window_bounds = array<i64: 2000, 128>}, {transform_indices = @transform_6, window_bounds = array<i64: 2000, 128>}]} {
    %get3A = arith.constant 0 : index
    %get3A_0 = arith.constant 0 : index
    %get3A_1 = arith.constant 0 : index
    %get3A_2 = vector.load %arg1[%get3A, %get3A_0, %get3A_1] : memref<2x2000x128xf32, #tpu.memory_space<vmem>>, vector<1x2000x128xf32>
    %get3A_3 = vector.shape_cast %get3A_2 : vector<1x2000x128xf32> to vector<2000x128xf32>
    %get3A_4 = arith.constant 1 : index
    %get3A_5 = arith.constant 0 : index
    %get3A_6 = arith.constant 0 : index
    %get3A_7 = vector.load %arg1[%get3A_4, %get3A_5, %get3A_6] : memref<2x2000x128xf32, #tpu.memory_space<vmem>>, vector<1x2000x128xf32>
    %get3A_8 = vector.shape_cast %get3A_7 : vector<1x2000x128xf32> to vector<2000x128xf32>
    %add3A = arith.addf %get3A_3, %get3A_8 : vector<2000x128xf32>
    %get3A_9 = arith.constant 0 : index
    %get3A_10 = arith.constant 0 : index
    %get3A_11 = vector.load %arg2[%get3A_9, %get3A_10] : memref<2000x128xf32, #tpu.memory_space<vmem>>, vector<2000x128xf32>
    %add3A_12 = arith.addf %add3A, %get3A_11 : vector<2000x128xf32>
    %get3A_13 = arith.constant 0 : index
    %get3A_14 = arith.constant 0 : index
    %get3A_15 = vector.load %arg3[%get3A_13, %get3A_14] : memref<2000x1xf32, #tpu.memory_space<vmem>>, vector<2000x1xf32>
    %mul3A = vector.broadcast %get3A_15 : vector<2000x1xf32> to vector<2000x128xf32>
    %mul3A_16 = arith.mulf %add3A_12, %mul3A : vector<2000x128xf32>
    %get3A_17 = arith.constant 0 : index
    %get3A_18 = arith.constant 0 : index
    %get3A_19 = vector.load %arg4[%get3A_17, %get3A_18] : memref<1x128xf32, #tpu.memory_space<vmem>>, vector<1x128xf32>
    %add3A_20 = vector.broadcast %get3A_19 : vector<1x128xf32> to vector<2000x128xf32>
    %add3A_21 = arith.addf %mul3A_16, %add3A_20 : vector<2000x128xf32>
    %max3A = arith.constant 0.000000e+00 : f32
    %max3A_22 = vector.broadcast %max3A : f32 to vector<2000x128xf32>
    %max3A_23 = arith.maximumf %add3A_21, %max3A_22 : vector<2000x128xf32>
    %swap3A = arith.constant 0 : index
    %swap3A_24 = arith.constant 0 : index
    %swap3A_25 = vector.load %arg6[%swap3A, %swap3A_24] : memref<2000x128xf32, #tpu.memory_space<vmem>>, vector<2000x128xf32>
    tpu.vector_store %arg6[%swap3A, %swap3A_24], %max3A_23 {strides = array<i32>} : memref<2000x128xf32, #tpu.memory_space<vmem>>, vector<2000x128xf32>,
    %get3A_26 = arith.constant 0 : index
    %get3A_27 = arith.constant 0 : index
    %get3A_28 = vector.load %arg5[%get3A_26, %get3A_27] : memref<128x128xf32, #tpu.memory_space<vmem>>, vector<128x128xf32>
    %dot_general3A = arith.constant dense<0.000000e+00> : vector<2000x128xf32>
    %dot_general3A_29 = tpu.matmul %max3A_23, %get3A_28, %dot_general3A {dimension_numbers = #tpu.dot_dimension_numbers<[1], [0], [0], [1], [0, 0, 1, 1], [], []>, transpose_lhs_hint = false} : vector<2000x128xf32>, vector<128x128xf32>, vector<2000x128xf32> -> vector<2000x128xf32>
    %get3A_30 = arith.constant 0 : index
    %get3A_31 = arith.constant 0 : index
    %get3A_32 = vector.load %arg3[%get3A_30, %get3A_31] : memref<2000x1xf32, #tpu.memory_space<vmem>>, vector<2000x1xf32>
    %mul3A_33 = vector.broadcast %get3A_32 : vector<2000x1xf32> to vector<2000x128xf32>
    %mul3A_34 = arith.mulf %dot_general3A_29, %mul3A_33 : vector<2000x128xf32>
    %swap3A_35 = arith.constant 0 : index
    %swap3A_36 = arith.constant 0 : index
    %swap3A_37 = vector.load %arg7[%swap3A_35, %swap3A_36] : memref<2000x128xf32, #tpu.memory_space<vmem>>, vector<2000x128xf32>
    tpu.vector_store %arg7[%swap3A_35, %swap3A_36], %mul3A_34 {strides = array<i32>} : memref<2000x128xf32, #tpu.memory_space<vmem>>, vector<2000x128xf32>,
    return
  }
  func.func @transform_0(%arg0: i32) -> (i32, i32, i32) {
    %c0_i32 = arith.constant 0 : i32
    %c0_i32_0 = arith.constant 0 : i32
    %c0_i32_1 = arith.constant 0 : i32
    return %c0_i32, %arg0, %c0_i32_0 : i32, i32, i32
  }
  func.func @transform_1(%arg0: i32) -> (i32, i32) {
    %c0_i32 = arith.constant 0 : i32
    %c0_i32_0 = arith.constant 0 : i32
    return %arg0, %c0_i32 : i32, i32
  }
  func.func @transform_2(%arg0: i32) -> (i32, i32) {
    %c0_i32 = arith.constant 0 : i32
    %c0_i32_0 = arith.constant 0 : i32
    return %arg0, %c0_i32 : i32, i32
  }
  func.func @transform_3(%arg0: i32) -> (i32, i32) {
    %c0_i32 = arith.constant 0 : i32
    %c0_i32_0 = arith.constant 0 : i32
    %c0_i32_1 = arith.constant 0 : i32
    return %c0_i32, %c0_i32_0 : i32, i32
  }
  func.func @transform_4(%arg0: i32) -> (i32, i32) {
    %c0_i32 = arith.constant 0 : i32
    %c0_i32_0 = arith.constant 0 : i32
    %c0_i32_1 = arith.constant 0 : i32
    return %c0_i32, %c0_i32_0 : i32, i32
  }
  func.func @transform_5(%arg0: i32) -> (i32, i32) {
    %c0_i32 = arith.constant 0 : i32
    %c0_i32_0 = arith.constant 0 : i32
    return %arg0, %c0_i32 : i32, i32
  }
  func.func @transform_6(%arg0: i32) -> (i32, i32) {
    %c0_i32 = arith.constant 0 : i32
    %c0_i32_0 = arith.constant 0 : i32
    return %arg0, %c0_i32 : i32, i32
  }
}

module attributes {stable_mosaic.version = 14 : i64} {
  func.func @_k3_body(%arg0: i32, %arg1: memref<2x2000x128xf32, #tpu.memory_space<vmem>>, %arg2: memref<2000x128xf32, #tpu.memory_space<vmem>>, %arg3: memref<2000x1xf32, #tpu.memory_space<vmem>>, %arg4: memref<1x128xf32, #tpu.memory_space<vmem>>, %arg5: memref<2000x128xf32, #tpu.memory_space<vmem>>, %arg6: memref<2000x128xf32, #tpu.memory_space<vmem>>, %arg7: memref<128x128xf32, #tpu.memory_space<vmem>>, %arg8: memref<128x128xf32, #tpu.memory_space<vmem>>, %arg9: memref<128x128xf32, #tpu.memory_space<vmem>>, %arg10: memref<1x128xf32, #tpu.memory_space<vmem>>, %arg11: memref<2000x1xi32, #tpu.memory_space<vmem>>, %arg12: memref<2000x128xf32, #tpu.memory_space<vmem>>, %arg13: memref<8x128xf32, #tpu.memory_space<vmem>>) attributes {dimension_semantics = [#tpu.dimension_semantics<arbitrary>], iteration_bounds = array<i64: 5>, scalar_prefetch = 0 : i64, scratch_operands = 0 : i64, tpu.core_type = #tpu.core_type<tc>, window_params = [{transform_indices = @transform_0, window_bounds = array<i64: 2, 2000, 128>}, {transform_indices = @transform_1, window_bounds = array<i64: 2000, 128>}, {transform_indices = @transform_2, window_bounds = array<i64: 2000, 1>}, {pipeline_mode = #tpu.pipeline_mode<synchronous>, transform_indices = @transform_3, window_bounds = array<i64: 1, 128>}, {transform_indices = @transform_4, window_bounds = array<i64: 2000, 128>}, {transform_indices = @transform_5, window_bounds = array<i64: 2000, 128>}, {pipeline_mode = #tpu.pipeline_mode<synchronous>, transform_indices = @transform_6, window_bounds = array<i64: 128, 128>}, {pipeline_mode = #tpu.pipeline_mode<synchronous>, transform_indices = @transform_7, window_bounds = array<i64: 128, 128>}, {pipeline_mode = #tpu.pipeline_mode<synchronous>, transform_indices = @transform_8, window_bounds = array<i64: 128, 128>}, {pipeline_mode = #tpu.pipeline_mode<synchronous>, transform_indices = @transform_9, window_bounds = array<i64: 1, 128>}, {transform_indices = @transform_10, window_bounds = array<i64: 2000, 1>}, {transform_indices = @transform_11, window_bounds = array<i64: 2000, 128>}, {transform_indices = @transform_12, window_bounds = array<i64: 8, 128>}]} {
    %get3A = arith.constant 0 : index
    %get3A_0 = arith.constant 0 : index
    %get3A_1 = arith.constant 0 : index
    %get3A_2 = vector.load %arg1[%get3A, %get3A_0, %get3A_1] : memref<2x2000x128xf32, #tpu.memory_space<vmem>>, vector<1x2000x128xf32>
    %get3A_3 = vector.shape_cast %get3A_2 : vector<1x2000x128xf32> to vector<2000x128xf32>
    %get3A_4 = arith.constant 1 : index
    %get3A_5 = arith.constant 0 : index
    %get3A_6 = arith.constant 0 : index
    %get3A_7 = vector.load %arg1[%get3A_4, %get3A_5, %get3A_6] : memref<2x2000x128xf32, #tpu.memory_space<vmem>>, vector<1x2000x128xf32>
    %get3A_8 = vector.shape_cast %get3A_7 : vector<1x2000x128xf32> to vector<2000x128xf32>
    %add3A = arith.addf %get3A_3, %get3A_8 : vector<2000x128xf32>
    %get3A_9 = arith.constant 0 : index
    %get3A_10 = arith.constant 0 : index
    %get3A_11 = vector.load %arg2[%get3A_9, %get3A_10] : memref<2000x128xf32, #tpu.memory_space<vmem>>, vector<2000x128xf32>
    %add3A_12 = arith.addf %add3A, %get3A_11 : vector<2000x128xf32>
    %get3A_13 = arith.constant 0 : index
    %get3A_14 = arith.constant 0 : index
    %get3A_15 = vector.load %arg3[%get3A_13, %get3A_14] : memref<2000x1xf32, #tpu.memory_space<vmem>>, vector<2000x1xf32>
    %mul3A = vector.broadcast %get3A_15 : vector<2000x1xf32> to vector<2000x128xf32>
    %mul3A_16 = arith.mulf %add3A_12, %mul3A : vector<2000x128xf32>
    %get3A_17 = arith.constant 0 : index
    %get3A_18 = arith.constant 0 : index
    %get3A_19 = vector.load %arg4[%get3A_17, %get3A_18] : memref<1x128xf32, #tpu.memory_space<vmem>>, vector<1x128xf32>
    %add3A_20 = vector.broadcast %get3A_19 : vector<1x128xf32> to vector<2000x128xf32>
    %add3A_21 = arith.addf %mul3A_16, %add3A_20 : vector<2000x128xf32>
    %max3A = arith.constant 0.000000e+00 : f32
    %max3A_22 = vector.broadcast %max3A : f32 to vector<2000x128xf32>
    %max3A_23 = arith.maximumf %add3A_21, %max3A_22 : vector<2000x128xf32>
    %get3A_24 = arith.constant 0 : index
    %get3A_25 = arith.constant 0 : index
    %get3A_26 = vector.load %arg5[%get3A_24, %get3A_25] : memref<2000x128xf32, #tpu.memory_space<vmem>>, vector<2000x128xf32>
    %get3A_27 = arith.constant 0 : index
    %get3A_28 = arith.constant 0 : index
    %get3A_29 = vector.load %arg7[%get3A_27, %get3A_28] : memref<128x128xf32, #tpu.memory_space<vmem>>, vector<128x128xf32>
    %dot_general3A = arith.constant dense<0.000000e+00> : vector<2000x128xf32>
    %dot_general3A_30 = tpu.matmul %get3A_26, %get3A_29, %dot_general3A {dimension_numbers = #tpu.dot_dimension_numbers<[1], [0], [0], [1], [0, 0, 1, 1], [], []>, transpose_lhs_hint = false} : vector<2000x128xf32>, vector<128x128xf32>, vector<2000x128xf32> -> vector<2000x128xf32>
    %get3A_31 = arith.constant 0 : index
    %get3A_32 = arith.constant 0 : index
    %get3A_33 = vector.load %arg6[%get3A_31, %get3A_32] : memref<2000x128xf32, #tpu.memory_space<vmem>>, vector<2000x128xf32>
    %get3A_34 = arith.constant 0 : index
    %get3A_35 = arith.constant 0 : index
    %get3A_36 = vector.load %arg8[%get3A_34, %get3A_35] : memref<128x128xf32, #tpu.memory_space<vmem>>, vector<128x128xf32>
    %dot_general3A_37 = arith.constant dense<0.000000e+00> : vector<2000x128xf32>
    %dot_general3A_38 = tpu.matmul %get3A_33, %get3A_36, %dot_general3A_37 {dimension_numbers = #tpu.dot_dimension_numbers<[1], [0], [0], [1], [0, 0, 1, 1], [], []>, transpose_lhs_hint = false} : vector<2000x128xf32>, vector<128x128xf32>, vector<2000x128xf32> -> vector<2000x128xf32>
    %add3A_39 = arith.addf %dot_general3A_30, %dot_general3A_38 : vector<2000x128xf32>
    %get3A_40 = arith.constant 0 : index
    %get3A_41 = arith.constant 0 : index
    %get3A_42 = vector.load %arg9[%get3A_40, %get3A_41] : memref<128x128xf32, #tpu.memory_space<vmem>>, vector<128x128xf32>
    %dot_general3A_43 = arith.constant dense<0.000000e+00> : vector<2000x128xf32>
    %dot_general3A_44 = tpu.matmul %max3A_23, %get3A_42, %dot_general3A_43 {dimension_numbers = #tpu.dot_dimension_numbers<[1], [0], [0], [1], [0, 0, 1, 1], [], []>, transpose_lhs_hint = false} : vector<2000x128xf32>, vector<128x128xf32>, vector<2000x128xf32> -> vector<2000x128xf32>
    %add3A_45 = arith.addf %add3A_39, %dot_general3A_44 : vector<2000x128xf32>
    %get3A_46 = arith.constant 0 : index
    %get3A_47 = arith.constant 0 : index
    %get3A_48 = vector.load %arg10[%get3A_46, %get3A_47] : memref<1x128xf32, #tpu.memory_space<vmem>>, vector<1x128xf32>
    %add3A_49 = vector.broadcast %get3A_48 : vector<1x128xf32> to vector<2000x128xf32>
    %add3A_50 = arith.addf %add3A_45, %add3A_49 : vector<2000x128xf32>
    %swap3A = arith.constant 0 : index
    %swap3A_51 = arith.constant 0 : index
    %swap3A_52 = vector.load %arg12[%swap3A, %swap3A_51] : memref<2000x128xf32, #tpu.memory_space<vmem>>, vector<2000x128xf32>
    tpu.vector_store %arg12[%swap3A, %swap3A_51], %add3A_50 {strides = array<i32>} : memref<2000x128xf32, #tpu.memory_space<vmem>>, vector<2000x128xf32>,
    %get3A_53 = arith.constant 0 : index
    %get3A_54 = arith.constant 0 : index
    %get3A_55 = vector.load %arg11[%get3A_53, %get3A_54] : memref<2000x1xi32, #tpu.memory_space<vmem>>, vector<2000x1xi32>
    %eq3A = arith.constant 0 : i32
    %eq3A_56 = vector.broadcast %eq3A : i32 to vector<2000x1xi32>
    %eq3A_57 = arith.cmpi eq, %get3A_55, %eq3A_56 : vector<2000x1xi32>
    %jit3A = arith.constant 0.000000e+00 : f32
    %broadcast_in_dim3A = vector.shape_cast %eq3A_57 : vector<2000x1xi1> to vector<2000x1xi1>
    %broadcast_in_dim3A_58 = vector.broadcast %broadcast_in_dim3A : vector<2000x1xi1> to vector<2000x128xi1>
    %broadcast_in_dim3A_59 = vector.broadcast %jit3A : f32 to vector<2000x128xf32>
    %select_n3A = arith.select %broadcast_in_dim3A_58, %add3A_50, %broadcast_in_dim3A_59 : vector<2000x128xi1>, vector<2000x128xf32>
    %reduce_sum3A = arith.constant dense<0.000000e+00> : vector<128xf32>
    %reduce_sum3A_60 = vector.multi_reduction <add>, %select_n3A, %reduce_sum3A [0] : vector<2000x128xf32> to vector<128xf32>
    %broadcast_in_dim3A_61 = vector.shape_cast %reduce_sum3A_60 : vector<128xf32> to vector<1x128xf32>
    %iota3A = tpu.iota {dimensions = array<i32: 0>} : vector<8x128xi32>
    %eq3A_62 = arith.constant 0 : i32
    %eq3A_63 = vector.broadcast %eq3A_62 : i32 to vector<8x128xi32>
    %eq3A_64 = arith.cmpi eq, %iota3A, %eq3A_63 : vector<8x128xi32>
    %jit3A_65 = arith.constant 0.000000e+00 : f32
    %broadcast_in_dim3A_66 = vector.shape_cast %broadcast_in_dim3A_61 : vector<1x128xf32> to vector<1x128xf32>
    %broadcast_in_dim3A_67 = vector.broadcast %broadcast_in_dim3A_66 : vector<1x128xf32> to vector<8x128xf32>
    %broadcast_in_dim3A_68 = vector.broadcast %jit3A_65 : f32 to vector<8x128xf32>
    %select_n3A_69 = arith.select %eq3A_64, %broadcast_in_dim3A_67, %broadcast_in_dim3A_68 : vector<8x128xi1>, vector<8x128xf32>
    %swap3A_70 = arith.constant 0 : index
    %swap3A_71 = arith.constant 0 : index
    %swap3A_72 = vector.load %arg13[%swap3A_70, %swap3A_71] : memref<8x128xf32, #tpu.memory_space<vmem>>, vector<8x128xf32>
    tpu.vector_store %arg13[%swap3A_70, %swap3A_71], %select_n3A_69 {strides = array<i32>} : memref<8x128xf32, #tpu.memory_space<vmem>>, vector<8x128xf32>,
    return
  }
  func.func @transform_0(%arg0: i32) -> (i32, i32, i32) {
    %c0_i32 = arith.constant 0 : i32
    %c0_i32_0 = arith.constant 0 : i32
    %c0_i32_1 = arith.constant 0 : i32
    return %c0_i32, %arg0, %c0_i32_0 : i32, i32, i32
  }
  func.func @transform_1(%arg0: i32) -> (i32, i32) {
    %c0_i32 = arith.constant 0 : i32
    %c0_i32_0 = arith.constant 0 : i32
    return %arg0, %c0_i32 : i32, i32
  }
  func.func @transform_2(%arg0: i32) -> (i32, i32) {
    %c0_i32 = arith.constant 0 : i32
    %c0_i32_0 = arith.constant 0 : i32
    return %arg0, %c0_i32 : i32, i32
  }
  func.func @transform_3(%arg0: i32) -> (i32, i32) {
    %c0_i32 = arith.constant 0 : i32
    %c0_i32_0 = arith.constant 0 : i32
    %c0_i32_1 = arith.constant 0 : i32
    return %c0_i32, %c0_i32_0 : i32, i32
  }
  func.func @transform_4(%arg0: i32) -> (i32, i32) {
    %c0_i32 = arith.constant 0 : i32
    %c0_i32_0 = arith.constant 0 : i32
    return %arg0, %c0_i32 : i32, i32
  }
  func.func @transform_5(%arg0: i32) -> (i32, i32) {
    %c0_i32 = arith.constant 0 : i32
    %c0_i32_0 = arith.constant 0 : i32
    return %arg0, %c0_i32 : i32, i32
  }
  func.func @transform_6(%arg0: i32) -> (i32, i32) {
    %c0_i32 = arith.constant 0 : i32
    %c0_i32_0 = arith.constant 0 : i32
    %c0_i32_1 = arith.constant 0 : i32
    return %c0_i32, %c0_i32_0 : i32, i32
  }
  func.func @transform_7(%arg0: i32) -> (i32, i32) {
    %c0_i32 = arith.constant 0 : i32
    %c0_i32_0 = arith.constant 0 : i32
    %c0_i32_1 = arith.constant 0 : i32
    return %c0_i32, %c0_i32_0 : i32, i32
  }
  func.func @transform_8(%arg0: i32) -> (i32, i32) {
    %c0_i32 = arith.constant 0 : i32
    %c0_i32_0 = arith.constant 0 : i32
    %c0_i32_1 = arith.constant 0 : i32
    return %c0_i32, %c0_i32_0 : i32, i32
  }
  func.func @transform_9(%arg0: i32) -> (i32, i32) {
    %c0_i32 = arith.constant 0 : i32
    %c0_i32_0 = arith.constant 0 : i32
    %c0_i32_1 = arith.constant 0 : i32
    return %c0_i32, %c0_i32_0 : i32, i32
  }
  func.func @transform_10(%arg0: i32) -> (i32, i32) {
    %c0_i32 = arith.constant 0 : i32
    %c0_i32_0 = arith.constant 0 : i32
    return %arg0, %c0_i32 : i32, i32
  }
  func.func @transform_11(%arg0: i32) -> (i32, i32) {
    %c0_i32 = arith.constant 0 : i32
    %c0_i32_0 = arith.constant 0 : i32
    return %arg0, %c0_i32 : i32, i32
  }
  func.func @transform_12(%arg0: i32) -> (i32, i32) {
    %c0_i32 = arith.constant 0 : i32
    %c0_i32_0 = arith.constant 0 : i32
    return %arg0, %c0_i32 : i32, i32
  }
}

module attributes {stable_mosaic.version = 14 : i64} {
  func.func @_k5_body(%arg0: i32, %arg1: memref<2000x128xf32, #tpu.memory_space<vmem>>, %arg2: memref<40x128xf32, #tpu.memory_space<vmem>>, %arg3: memref<128x128xf32, #tpu.memory_space<vmem>>, %arg4: memref<1x128xf32, #tpu.memory_space<vmem>>, %arg5: memref<128x128xf32, #tpu.memory_space<vmem>>, %arg6: memref<128x128xf32, #tpu.memory_space<vmem>>, %arg7: memref<1x128xf32, #tpu.memory_space<vmem>>, %arg8: memref<1x128xf32, #tpu.memory_space<vmem>>, %arg9: memref<1x1xf32, #tpu.memory_space<vmem>>, %arg10: memref<2000x1xf32, #tpu.memory_space<vmem>>) attributes {dimension_semantics = [#tpu.dimension_semantics<arbitrary>], iteration_bounds = array<i64: 5>, scalar_prefetch = 0 : i64, scratch_operands = 0 : i64, tpu.core_type = #tpu.core_type<tc>, window_params = [{transform_indices = @transform_0, window_bounds = array<i64: 2000, 128>}, {pipeline_mode = #tpu.pipeline_mode<synchronous>, transform_indices = @transform_1, window_bounds = array<i64: 40, 128>}, {pipeline_mode = #tpu.pipeline_mode<synchronous>, transform_indices = @transform_2, window_bounds = array<i64: 128, 128>}, {pipeline_mode = #tpu.pipeline_mode<synchronous>, transform_indices = @transform_3, window_bounds = array<i64: 1, 128>}, {pipeline_mode = #tpu.pipeline_mode<synchronous>, transform_indices = @transform_4, window_bounds = array<i64: 128, 128>}, {pipeline_mode = #tpu.pipeline_mode<synchronous>, transform_indices = @transform_5, window_bounds = array<i64: 128, 128>}, {pipeline_mode = #tpu.pipeline_mode<synchronous>, transform_indices = @transform_6, window_bounds = array<i64: 1, 128>}, {pipeline_mode = #tpu.pipeline_mode<synchronous>, transform_indices = @transform_7, window_bounds = array<i64: 1, 128>}, {pipeline_mode = #tpu.pipeline_mode<synchronous>, transform_indices = @transform_8, window_bounds = array<i64: 1, 1>}, {transform_indices = @transform_9, window_bounds = array<i64: 2000, 1>}]} {
    %get3A = arith.constant 0 : index
    %get3A_0 = arith.constant 0 : index
    %get3A_1 = vector.load %arg2[%get3A, %get3A_0] : memref<40x128xf32, #tpu.memory_space<vmem>>, vector<40x128xf32>
    %reduce_sum3A = arith.constant dense<0.000000e+00> : vector<128xf32>
    %reduce_sum3A_2 = vector.multi_reduction <add>, %get3A_1, %reduce_sum3A [0] : vector<40x128xf32> to vector<128xf32>
    %broadcast_in_dim3A = vector.shape_cast %reduce_sum3A_2 : vector<128xf32> to vector<1x128xf32>
    %get3A_3 = arith.constant 0 : index
    %get3A_4 = arith.constant 0 : index
    %get3A_5 = vector.load %arg3[%get3A_3, %get3A_4] : memref<128x128xf32, #tpu.memory_space<vmem>>, vector<128x128xf32>
    %dot_general3A = arith.constant dense<0.000000e+00> : vector<1x128xf32>
    %dot_general3A_6 = tpu.matmul %broadcast_in_dim3A, %get3A_5, %dot_general3A {dimension_numbers = #tpu.dot_dimension_numbers<[1], [0], [0], [1], [0, 0, 1, 1], [], []>, transpose_lhs_hint = false} : vector<1x128xf32>, vector<128x128xf32>, vector<1x128xf32> -> vector<1x128xf32>
    %get3A_7 = arith.constant 0 : index
    %get3A_8 = arith.constant 0 : index
    %get3A_9 = vector.load %arg4[%get3A_7, %get3A_8] : memref<1x128xf32, #tpu.memory_space<vmem>>, vector<1x128xf32>
    %add3A = arith.addf %dot_general3A_6, %get3A_9 : vector<1x128xf32>
    %max3A = arith.constant 0.000000e+00 : f32
    %max3A_10 = vector.broadcast %max3A : f32 to vector<1x128xf32>
    %max3A_11 = arith.maximumf %add3A, %max3A_10 : vector<1x128xf32>
    %get3A_12 = arith.constant 0 : index
    %get3A_13 = arith.constant 0 : index
    %get3A_14 = vector.load %arg5[%get3A_12, %get3A_13] : memref<128x128xf32, #tpu.memory_space<vmem>>, vector<128x128xf32>
    %dot_general3A_15 = arith.constant dense<0.000000e+00> : vector<1x128xf32>
    %dot_general3A_16 = tpu.matmul %max3A_11, %get3A_14, %dot_general3A_15 {dimension_numbers = #tpu.dot_dimension_numbers<[1], [0], [0], [1], [0, 0, 1, 1], [], []>, transpose_lhs_hint = false} : vector<1x128xf32>, vector<128x128xf32>, vector<1x128xf32> -> vector<1x128xf32>
    %get3A_17 = arith.constant 0 : index
    %get3A_18 = arith.constant 0 : index
    %get3A_19 = vector.load %arg7[%get3A_17, %get3A_18] : memref<1x128xf32, #tpu.memory_space<vmem>>, vector<1x128xf32>
    %add3A_20 = arith.addf %dot_general3A_16, %get3A_19 : vector<1x128xf32>
    %get3A_21 = arith.constant 0 : index
    %get3A_22 = arith.constant 0 : index
    %get3A_23 = vector.load %arg1[%get3A_21, %get3A_22] : memref<2000x128xf32, #tpu.memory_space<vmem>>, vector<2000x128xf32>
    %max3A_24 = arith.constant 0.000000e+00 : f32
    %max3A_25 = vector.broadcast %max3A_24 : f32 to vector<2000x128xf32>
    %max3A_26 = arith.maximumf %get3A_23, %max3A_25 : vector<2000x128xf32>
    %get3A_27 = arith.constant 0 : index
    %get3A_28 = arith.constant 0 : index
    %get3A_29 = vector.load %arg6[%get3A_27, %get3A_28] : memref<128x128xf32, #tpu.memory_space<vmem>>, vector<128x128xf32>
    %dot_general3A_30 = arith.constant dense<0.000000e+00> : vector<2000x128xf32>
    %dot_general3A_31 = tpu.matmul %max3A_26, %get3A_29, %dot_general3A_30 {dimension_numbers = #tpu.dot_dimension_numbers<[1], [0], [0], [1], [0, 0, 1, 1], [], []>, transpose_lhs_hint = false} : vector<2000x128xf32>, vector<128x128xf32>, vector<2000x128xf32> -> vector<2000x128xf32>
    %add3A_32 = vector.broadcast %add3A_20 : vector<1x128xf32> to vector<2000x128xf32>
    %add3A_33 = arith.addf %dot_general3A_31, %add3A_32 : vector<2000x128xf32>
    %max3A_34 = arith.constant 0.000000e+00 : f32
    %max3A_35 = vector.broadcast %max3A_34 : f32 to vector<2000x128xf32>
    %max3A_36 = arith.maximumf %add3A_33, %max3A_35 : vector<2000x128xf32>
    %get3A_37 = arith.constant 0 : index
    %get3A_38 = arith.constant 0 : index
    %get3A_39 = vector.load %arg8[%get3A_37, %get3A_38] : memref<1x128xf32, #tpu.memory_space<vmem>>, vector<1x128xf32>
    %mul3A = vector.broadcast %get3A_39 : vector<1x128xf32> to vector<2000x128xf32>
    %mul3A_40 = arith.mulf %max3A_36, %mul3A : vector<2000x128xf32>
    %reduce_sum3A_41 = arith.constant dense<0.000000e+00> : vector<2000xf32>
    %reduce_sum3A_42 = vector.multi_reduction <add>, %mul3A_40, %reduce_sum3A_41 [1] : vector<2000x128xf32> to vector<2000xf32>
    %broadcast_in_dim3A_43 = vector.shape_cast %reduce_sum3A_42 : vector<2000xf32> to vector<2000x1xf32>
    %get3A_44 = arith.constant 0 : index
    %get3A_45 = arith.constant 0 : index
    %get3A_46 = vector.load %arg9[%get3A_44, %get3A_45] : memref<1x1xf32, #tpu.memory_space<vmem>>, vector<1x1xf32>
    %add3A_47 = vector.broadcast %get3A_46 : vector<1x1xf32> to vector<2000x1xf32>
    %add3A_48 = arith.addf %broadcast_in_dim3A_43, %add3A_47 : vector<2000x1xf32>
    %swap3A = arith.constant 0 : index
    %swap3A_49 = arith.constant 0 : index
    %swap3A_50 = vector.load %arg10[%swap3A, %swap3A_49] : memref<2000x1xf32, #tpu.memory_space<vmem>>, vector<2000x1xf32>
    tpu.vector_store %arg10[%swap3A, %swap3A_49], %add3A_48 {strides = array<i32>} : memref<2000x1xf32, #tpu.memory_space<vmem>>, vector<2000x1xf32>,
    return
  }
  func.func @transform_0(%arg0: i32) -> (i32, i32) {
    %c0_i32 = arith.constant 0 : i32
    %c0_i32_0 = arith.constant 0 : i32
    return %arg0, %c0_i32 : i32, i32
  }
  func.func @transform_1(%arg0: i32) -> (i32, i32) {
    %c0_i32 = arith.constant 0 : i32
    %c0_i32_0 = arith.constant 0 : i32
    %c0_i32_1 = arith.constant 0 : i32
    return %c0_i32, %c0_i32_0 : i32, i32
  }
  func.func @transform_2(%arg0: i32) -> (i32, i32) {
    %c0_i32 = arith.constant 0 : i32
    %c0_i32_0 = arith.constant 0 : i32
    %c0_i32_1 = arith.constant 0 : i32
    return %c0_i32, %c0_i32_0 : i32, i32
  }
  func.func @transform_3(%arg0: i32) -> (i32, i32) {
    %c0_i32 = arith.constant 0 : i32
    %c0_i32_0 = arith.constant 0 : i32
    %c0_i32_1 = arith.constant 0 : i32
    return %c0_i32, %c0_i32_0 : i32, i32
  }
  func.func @transform_4(%arg0: i32) -> (i32, i32) {
    %c0_i32 = arith.constant 0 : i32
    %c0_i32_0 = arith.constant 0 : i32
    %c0_i32_1 = arith.constant 0 : i32
    return %c0_i32, %c0_i32_0 : i32, i32
  }
  func.func @transform_5(%arg0: i32) -> (i32, i32) {
    %c0_i32 = arith.constant 0 : i32
    %c0_i32_0 = arith.constant 0 : i32
    %c0_i32_1 = arith.constant 0 : i32
    return %c0_i32, %c0_i32_0 : i32, i32
  }
  func.func @transform_6(%arg0: i32) -> (i32, i32) {
    %c0_i32 = arith.constant 0 : i32
    %c0_i32_0 = arith.constant 0 : i32
    %c0_i32_1 = arith.constant 0 : i32
    return %c0_i32, %c0_i32_0 : i32, i32
  }
  func.func @transform_7(%arg0: i32) -> (i32, i32) {
    %c0_i32 = arith.constant 0 : i32
    %c0_i32_0 = arith.constant 0 : i32
    %c0_i32_1 = arith.constant 0 : i32
    return %c0_i32, %c0_i32_0 : i32, i32
  }
  func.func @transform_8(%arg0: i32) -> (i32, i32) {
    %c0_i32 = arith.constant 0 : i32
    %c0_i32_0 = arith.constant 0 : i32
    %c0_i32_1 = arith.constant 0 : i32
    return %c0_i32, %c0_i32_0 : i32, i32
  }
  func.func @transform_9(%arg0: i32) -> (i32, i32) {
    %c0_i32 = arith.constant 0 : i32
    %c0_i32_0 = arith.constant 0 : i32
    return %arg0, %c0_i32 : i32, i32
  }
}

</mosaic_0001>

<sc_bundles>
// kernel: kernel.10.cloned.1.call-start
scs
__scs_entry_jumppad:
0x0: {  	(pc) =	sbr.rel $0x88, $3  }
0x1: {  	(tag) =	ssettag $0x0;
	lr =	simm.s32 $0x1  }
0x2: {  	[smem:$0x3F90] =	sst lr;
	_ =	strace $0xD0000000  }
0x3: {  	_ = 	snop  }
0x4: {  	_ = 	snop  }
0x5: {  	_ = 	snop  }
0x6: {  	_ = 	snop  }
0x7: {  	_ = 	snop  }
__scs_overlays_trampoline_lowered:
0x8: {  	[smem:$0x3F9F] =	sst s0  }
0x9: {  	[smem:$0x3FA0] =	sst s1  }
0xa: {  	[smem:$0x3FA1] =	sst s2  }
0xb: {  	[smem:$0x3FA2] =	sst s3  }
0xc: {  	[smem:$0x3FA3] =	sst s4  }
0xd: {  	[smem:$0x3FA4] =	sst s5  }
0xe: {  	[smem:$0x3FA5] =	sst s6  }
0xf: {  	[smem:$0x3FA6] =	sst s7  }
0x10: {  	[smem:$0x3FA7] =	sst s8  }
0x11: {  	[smem:$0x3FA8] =	sst s9;
	s0 =	simm.s32 @!p0 $0x0  }
0x12: {  	s1 =	sld [smem:$0x3F8E];
	s0 =	simm.s32 @p0 $0x1  }
0x13: {  	[smem:$0x3FA9] =	sst s0;
	s0 =	simm.s32 @!p1 $0x0  }
0x14: {  	s2 =	sld [smem:$0x3F8D];
	s0 =	simm.s32 @p1 $0x1  }
0x15: {  	[smem:$0x3FAA] =	sst s0;
	s0 =	simm.s32 @!p2 $0x0  }
0x16: {  	s3 =	sld [smem:$0x3FDB];
	s0 =	simm.s32 @p2 $0x1  }
0x17: {  	s4 =	simm.s32 $0x1BF5;
	[smem:$0x3FAC] =	sst s0  }
0x18: {  	s0 =	sld [smem:$0x3F8F];
	_ =	swait.ge [sflag:s4], $0x0  }
0x19: {  	s7 =	sld [smem:$0x3F90]  }
0x1a: {  	s8 =	sadd.s32 $0xFFFFE003, lr  }
0x1b: {  	s9 =	sadd.s32 $0xFFFFFEF7, lr;
	s5 =	simm.s32 $0xFFFFFFFF;
	p2 =	slt.u32 s8, $0xFFFFF086  }
0x1c: {  	p1 =	slt.u32 s9, $0xF7A;
	s5 =	simm.s32 @!p2 $0x0  }
0x1d: {  	s5 =	simm.s32 @p1 $0x1;
	p0 =	seq.s32 s7, s2  }
0x1e: {  	s7 =	smul.u32 @!p0 $0xF7A, s2;
	p2 =	seq.s32 @!p0 s5, $0x0  }
0x1f: {  	s9 =	smul.u32 $0xF7A, s1;
	s8 =	simm.s32 @!p0 $0x1BF5;
	p2 =	por !p2, p0  }
0x20: {  	[sflag:s8] =	ssyncset.s32 @!p0 $0xFFFFF086;
	s6 =	sadd.s32 @!p0 s3, s7;
	s7 =	simm.s32 @!p0 $0x108  }
0x21: {  	s3 =	sadd.s32 s3, s9;
	s6 =	sadd.s32 @!p0 $0x88, s6;
	s7 =	simm.s32 @p2 $0x1082  }
0x22: {  	[simem:s7], [sflag:s8] =	dma.local @!p0 [hbm:s6], $0xF7A  }
0x23: {  	s9 =	sor.u32 $0xD0000000, s2;
	s6 =	simm.s32 $0x108;
	_ =	swait.ge @!p0 [sflag:s8], $0x0  }
0x24: {  	s3 =	sadd.s32 $0x88, s3;
	s6 =	simm.s32 @!p1 $0x1082;
	[sflag:s4] =	ssyncset.s32 $0xFFFFF086  }
0x25: {  	[simem:s6], [sflag:s4] =	dma.local [hbm:s3], $0xF7A  }
0x26: {  	[smem:$0x3F90] =	sst s1;
	(tag) =	ssettag s2;
	_ =	strace s9  }
0x27: {  	s1 =	sld [smem:$0x3FA0]  }
0x28: {  	s2 =	sld [smem:$0x3FA1]  }
0x29: {  	s4 =	sld [smem:$0x3FA3]  }
0x2a: {  	p0 =	seq.s32 s5, $0x0;
	s5 =	sld [smem:$0x3FA4]  }
0x2b: {  	s6 =	sld [smem:$0x3FA5]  }
0x2c: {  	s7 =	sld [smem:$0x3FA6]  }
0x2d: {  	s3 =	simm.s32 $0x108;
	s8 =	sld [smem:$0x3FA7]  }
0x2e: {  	s3 =	simm.s32 @!p0 $0x1082;
	s9 =	sld [smem:$0x3FA8]  }
0x2f: {  	lr =	sadd.s32 s0, s3;
	s0 =	sld [smem:$0x3F9F]  }
0x30: {  	s3 =	sld [smem:$0x3FA2]  }
0x31: {  	[smem:$0x3FAB] =	sst s10  }
0x32: {  	s10 =	sld [smem:$0x3FA9];
	_ =	sdelay $0x3  }
0x33: {  	p0 =	seq.s32 s10, $0x1;
	s10 =	sld [smem:$0x3FAB];
	_ =	sdelay $0x3  }
0x34: {  	[smem:$0x3FAB] =	sst s10  }
0x35: {  	s10 =	sld [smem:$0x3FAA];
	_ =	sdelay $0x3  }
0x36: {  	p1 =	seq.s32 s10, $0x1;
	s10 =	sld [smem:$0x3FAB];
	_ =	sdelay $0x3  }
0x37: {  	[smem:$0x3FAB] =	sst s10  }
0x38: {  	s10 =	sld [smem:$0x3FAC]  }
0x39: {  	_ = 	snop;
	(pc) =	sbr.ind lr, $3  }
0x3a: {  	_ = 	snop  }
0x3b: {  	_ = 	snop  }
0x3c: {  	p2 =	seq.s32 s10, $0x1;
	s10 =	sld [smem:$0x3FAB]  }
0x3d: {  	_ =	shalt  }
0x3e: {  	_ =	shalt  }
0x3f: {  	_ =	shalt  }
0x40: {  	_ =	shalt  }
0x41: {  	_ =	shalt  }
0x42: {  	_ =	shalt  }
0x43: {  	_ =	shalt  }
0x44: {  	_ =	shalt  }
0x45: {  	_ =	shalt  }
0x46: {  	_ =	shalt  }
0x47: {  	_ =	shalt  }
0x48: {  	_ =	shalt  }
0x49: {  	_ =	shalt  }
0x4a: {  	_ =	shalt  }
0x4b: {  	_ =	shalt  }
0x4c: {  	_ =	shalt  }
0x4d: {  	_ =	shalt  }
0x4e: {  	_ =	shalt  }
0x4f: {  	_ =	shalt  }
0x50: {  	_ =	shalt  }
0x51: {  	_ =	shalt  }
0x52: {  	_ =	shalt  }
0x53: {  	_ =	shalt  }
0x54: {  	_ =	shalt  }
0x55: {  	_ =	shalt  }
0x56: {  	_ =	shalt  }
0x57: {  	_ =	shalt  }
0x58: {  	_ =	shalt  }
0x59: {  	_ =	shalt  }
0x5a: {  	_ =	shalt  }
0x5b: {  	_ =	shalt  }
0x5c: {  	_ =	shalt  }
0x5d: {  	_ =	shalt  }
0x5e: {  	_ =	shalt  }
0x5f: {  	_ =	shalt  }
0x60: {  	_ =	shalt  }
0x61: {  	_ =	shalt  }
0x62: {  	_ =	shalt  }
0x63: {  	_ =	shalt  }
0x64: {  	_ =	shalt  }
0x65: {  	_ =	shalt  }
0x66: {  	_ =	shalt  }
0x67: {  	_ =	shalt  }
0x68: {  	_ =	shalt  }
0x69: {  	_ =	shalt  }
0x6a: {  	_ =	shalt  }
0x6b: {  	_ =	shalt  }
0x6c: {  	_ =	shalt  }
0x6d: {  	_ =	shalt  }
0x6e: {  	_ =	shalt  }
0x6f: {  	_ =	shalt  }
0x70: {  	_ =	shalt  }
0x71: {  	_ =	shalt  }
0x72: {  	_ =	shalt  }
0x73: {  	_ =	shalt  }
0x74: {  	_ =	shalt  }
0x75: {  	_ =	shalt  }
0x76: {  	_ =	shalt  }
0x77: {  	_ =	shalt  }
0x78: {  	_ =	shalt  }
0x79: {  	_ =	shalt  }
0x7a: {  	_ =	shalt  }
0x7b: {  	_ =	shalt  }
0x7c: {  	_ =	shalt  }
0x7d: {  	_ =	shalt  }
0x7e: {  	_ =	shalt  }
0x7f: {  	_ =	shalt  }
0x80: {  	_ =	shalt  }
0x81: {  	_ =	shalt  }
0x82: {  	_ =	shalt  }
0x83: {  	_ =	shalt  }
0x84: {  	_ =	shalt  }
0x85: {  	_ =	shalt  }
0x86: {  	_ =	shalt  }
0x87: {  	_ =	shalt  }
.Lfunc_end0:
.L_simem_size_0:
called_computation_lowered:
.L_overlay_start_0:
0x88: {  	s2 =	sld [smem:$0x3FD9]  }
0x89: {  	s3 =	sld [smem:$0x3FFE];
	_ =	sdelay $0x1  }
0x8a: {  	s1 =	srdreg.scid  }
0x8b: {  	s0 =	sand.u32 $0x1, s1  }
0x8c: {  	s14 =	sshll.u32 s0, $0xA;
	s2 =	sadd.s32 s3, s2  }
0x8d: {  	s2 =	sadd.s32 s2, s14  }
0x8e: {  	[smem:$0x3FB7] =	sst s2  }
0x8f: {  	_ = 	snop  }
0x90: {  	s2 =	sld [smem:$0x3FD0];
	_ =	sdelay $0x2  }
0x91: {  	s15 =	simm.s32 $0xA;
	s4 =	simm.s32 $0x10  }
0x92: {  	[smem:s4], [sflag:s15] =	dma.local [hbm:s2], $0x1  }
0x93: {  	_ =	swait.eq [sflag:s15], $0x1  }
0x94: {  	[sflag:s15] =	ssyncset.done $0x0  }
0x95: {  	[sflag:s15] =	ssyncadd.s32 $0xFFFFFFFF  }
0x96: {  	s16 =	sld [smem:$0x11];
	(tm) =	ssettm $0x1  }
0x97: {  	s17 =	sld [smem:$0x3FFB];
	_ =	sdelay $0x3  }
0x98: {  	_ =	strace s17  }
0x99: {  	s3 =	sld [smem:$0x3FFC];
	_ =	sdelay $0x3  }
0x9a: {  	_ =	strace s3  }
0x9b: {  	s3 =	sld [smem:$0x3FFD];
	_ =	sdelay $0x3  }
0x9c: {  	_ =	strace s3  }
0x9d: {  	_ =	strace $0x8FFFFFFF  }
0x9e: {  	s18 =	sld [smem:$0x3FDB];
	_ =	sdelay $0x1  }
0x9f: {  	s19 =	simm.s32 $_scs_section_size  }
0xa0: {  	s5 =	simm.s32 $_size__tile_overlayer_lowered;
	s6 =	simm.s32 $_tile_overlayer_lowered  }
0xa1: {  	s22 =	simm.s32 $0x1BFF;
	s21 =	sshll.u32 s6, $0x1;
	s3 =	sadd.s32 s19, s18  }
0xa2: {  	s7 =	simm.s32 $0x0;
	s20 =	sshll.u32 s5, $0x1;
	s5 =	sadd.s32 s21, s3  }
0xa3: {  	[timem:s7], [sflag:s22] =	dma.local [hbm:s5], s20  }
0xa4: {  	_ =	swait.ge [sflag:s22], s20  }
0xa5: {  	s4 =	ssub.s32 $0x0, s20;
	[sflag:s22] =	ssyncset.done $0x0  }
0xa6: {  	[sflag:s22] =	ssyncadd.s32 s4;
	_ =	sdelay $0x1  }
0xa7: {  	s23 =	simm.s32 $0x1B8B  }
0xa8: {  	_ =	swait.ge [sflag:s23], $0x1  }
0xa9: {  	[sflag:s23] =	ssyncset.done $0x0  }
0xaa: {  	s25 =	simm.s32 $0x1B8E;
	s24 =	sld [smem:$0x3FFE];
	[sflag:s23] =	ssyncadd.s32 $0xFFFFFFFF  }
0xab: {  	s26 =	simm.s32 $execute0_lowered;
	[smem:$0x3FD2] =	sst s25  }
0xac: {  	s5 =	sshll.u32 s26, $0x1;
	_ =	strace $0x80000046;
	[dreg:$0x1] =	wrdreg $0xFFFFFFFF  }
0xad: {  	s28 =	simm.s32 $_size_execute0_lowered;
	s3 =	sadd.s32 s3, s5;
	[dreg:$0x0] =	wrdreg $0x0  }
0xae: {  	s5 =	sshll.u32 s28, $0x1;
	[dreg:$0x2] =	wrdreg s3  }
0xaf: {  	[dreg:$0x3] =	wrdreg s5  }
0xb0: {  	[dreg:$0x4] =	wrdreg $0xC0  }
0xb1: {  	_ =	task [dreg:s7], $0x5FFFF  }
0xb2: {  	[dreg:$0x1] =	wrdreg $0xFFFFFFFF  }
0xb3: {  	[dreg:$0x0] =	wrdreg $0x60  }
0xb4: {  	[dreg:$0x2] =	wrdreg s16  }
0xb5: {  	[dreg:$0x3] =	wrdreg s24  }
0xb6: {  	[dreg:$0x4] =	wrdreg $0x61000  }
0xb7: {  	[dreg:$0x5] =	wrdreg $0x9  }
0xb8: {  	_ =	task.clear_ibuf [dreg:s7], $0x6FFFF;
	_ =	strace $0x90000046  }
0xb9: {  	s29 =	simm.s32 $0x9;
	_ =	strace $0x80000048  }
0xba: {  	_ =	swait.ge [sflag:s29], $0x1  }
0xbb: {  	[sflag:s29] =	ssyncadd.s32 $0xFFFFFFFF  }
0xbc: {  	_ =	strace $0x90000048  }
0xbd: {  	_ =	sfence  }
0xbe: {  	s30 =	sld [smem:$0x0];
	_ =	sdelay $0x2  }
0xbf: {  	s31 =	sshll.u32 s1, $0xD;
	s1 =	sshrl.u32 s1, $0x2  }
0xc0: {  	s3 =	sand.u32 $0x4000, s31;
	s1 =	sadd.s32 s1, s30  }
0xc1: {  	s0 =	sor.u32 s3, s0;
	s1 =	sshll.u32 s1, $0x11  }
0xc2: {  	s0 =	sor.u32 s1, s0  }
0xc3: {  	s0 =	sadd.s32 $0x8F2B, s0  }
0xc4: {  	[sflag:s0] =	ssyncadd.remote.s32 $0x1  }
0xc5: {  	_ =	sfence.sel $0xFFFF  }
0xc6: {  	[dreg:$0x0] =	wrdreg $0xFFFFFFFF;
	(pc) =	sbr.abs _section_cstart, $3  }
0xc7: {  	[dreg:$0x1] =	wrdreg $0xFFFFFFFF  }
0xc8: {  	_ =	task.clear_ibuf [dreg:s7], $0x2FFFF;
	_ =	strace $0x9FFFFFFF  }
0xc9: {  	(tm) =	ssettm $0x7FFFFFFF  }
tec
execute0_lowered:
.L_overlay_start_1:
0x0: {  	(tag) =	ssettag $0x1  }
0x1: {  	s1 =	rddreg [dreg:$0x0]  }
0x2: {  	s5 =	rddreg [dreg:$0x1]  }
0x3: {  	s0 =	srdreg.scid;
	s2 =	rddreg [dreg:$0x2]  }
0x4: {  	s4 =	simm.s32 $0x0;
	s3 =	stileid.u32;
	s18 =	simm.s32 $0x4100  }
0x5: {  	s19 =	simm.s32 $0x2;
	s20 =	simm.s32 $0x80;
	s9 =	smul.u32 $0x50000, s3  }
0x6: {  	s21 =	simm.s32 $0x100;
	s6 =	sand.u32 $0x1, s0;
	s24 =	smul.u32 $0x2800, s3  }
0x7: {  	s22 =	simm.s32 $0x1;
	s0 =	rddreg [dreg:$0x3];
	s7 =	smul.u32 $0x5000, s6  }
0x8: {  	[smem:$0x7FF] =	sst s4;
	s8 =	smul.u32 $0x28000, s6;
	s6 =	ssub.s32 $0x2, s6  }
0x9: {  	s17 =	smul.u32 $0x500, s3;
	_ =	strace $0x80000047;
	s30 =	sshrl.u32 s6, $0x1  }
0xa: {  	s31 =	sshrl.u32 s9, $0x2;
	s16 =	sadd.s32 s7, s5;
	s8 =	sadd.s32 s8, s5  }
0xb: {  	s6 =	ssub.s32 s6, s30;
	s5 =	sadd.s32 s31, s2;
	s23 =	sadd.s32 $0x17C00, s8  }
0xc: {  	s6 =	smax.u32 s6, $0x1;
	s7 =	sadd.s32 $0x2000, s5;
	s8 =	sadd.s32 $0x4000, s5  }
0xd: {  	s9 =	sadd.s32 $0x6000, s5;
	s10 =	sadd.s32 $0x8000, s5;
	s11 =	sadd.s32 $0xA000, s5  }
0xe: {  	s12 =	sadd.s32 $0xC000, s5;
	s13 =	sadd.s32 $0xE000, s5;
	s17 =	sadd.s32 s17, s16  }
0xf: {  	s14 =	sadd.s32 $0x10000, s5;
	s15 =	sadd.s32 $0x12000, s5;
	s16 =	sadd.s32 $0xDC00, s17  }
0x10: {  	v0 =	vimm.f32 $0.0e+00;
	s17 =	sadd.s32 $0x3C00, s17;
	s23 =	sadd.s32 s24, s23;
	s24 =	simm.s32 $0x0  }
.LBB2_1:
0x11: {  	s25 =	sand.u32 $0x7E00, s4  }
0x12: {  	s26 =	sand.u32 $0x70, s4;
	s28 =	sshrl.u32 s25, $0x2  }
0x13: {  	s25 =	simm.s32 $0x40;
	s28 =	sor.u32 s26, s28;
	s26 =	simm.s32 $0x0  }
.LBB2_2:
0x14: {  	p0 =	sne.s32 s25, $0x7FC0  }
0x15: {  	[tilespmem:s28+$0x4100] =	vst v0;
	s26 =	sadd.s32 $0x10, s26;
	s28 =	smov.u32 s25;
	s25 =	sadd.s32 $0x40, s25  }
.Ltmp0:
0x16: {  	(pc) =	sbr.rel @p0 .LBB2_2-.Ltmp0, $4  }
0x17: {  	_ = 	snop  }
0x18: {  	s28 =	sand.u32 $0x7E00, s28  }
0x19: {  	s29 =	sand.u32 $0x70, s26;
	s28 =	sshrl.u32 s28, $0x2  }
0x1a: {  	s28 =	sor.u32 s29, s28  }
0x1b: {  	[tilespmem:s28+$0x4100] =	vst v0  }
0x1c: {  	[spmem:s5] =	stream.linear.scatter [tilespmem:s18], [sflag:$0x2], $0x2000, $0x38;
	[tilespmem:$0x1A100] =	vst v63  }
0x1d: {  	_ =	swait.ge [sflag:s19], $0x2000  }
0x1e: {  	[sflag:s19] =	ssyncset.done $0x0  }
0x1f: {  	[sflag:s19] =	ssyncadd.s32 $0xFFFFE000  }
0x20: {  	[spmem:s7] =	stream.linear.scatter [tilespmem:s18], [sflag:$0x2], $0x2000, $0x38;
	[tilespmem:$0x1A100] =	vst v63  }
0x21: {  	_ =	swait.ge [sflag:s19], $0x2000  }
0x22: {  	[sflag:s19] =	ssyncset.done $0x0  }
0x23: {  	[sflag:s19] =	ssyncadd.s32 $0xFFFFE000  }
0x24: {  	[spmem:s8] =	stream.linear.scatter [tilespmem:s18], [sflag:$0x2], $0x2000, $0x38;
	[tilespmem:$0x1A100] =	vst v63  }
0x25: {  	_ =	swait.ge [sflag:s19], $0x2000  }
0x26: {  	[sflag:s19] =	ssyncset.done $0x0  }
0x27: {  	[sflag:s19] =	ssyncadd.s32 $0xFFFFE000  }
0x28: {  	[spmem:s9] =	stream.linear.scatter [tilespmem:s18], [sflag:$0x2], $0x2000, $0x38;
	[tilespmem:$0x1A100] =	vst v63  }
0x29: {  	_ =	swait.ge [sflag:s19], $0x2000  }
0x2a: {  	[sflag:s19] =	ssyncset.done $0x0  }
0x2b: {  	[sflag:s19] =	ssyncadd.s32 $0xFFFFE000  }
0x2c: {  	[spmem:s10] =	stream.linear.scatter [tilespmem:s18], [sflag:$0x2], $0x2000, $0x38;
	[tilespmem:$0x1A100] =	vst v63  }
0x2d: {  	_ =	swait.ge [sflag:s19], $0x2000  }
0x2e: {  	[sflag:s19] =	ssyncset.done $0x0  }
0x2f: {  	[sflag:s19] =	ssyncadd.s32 $0xFFFFE000  }
0x30: {  	[spmem:s11] =	stream.linear.scatter [tilespmem:s18], [sflag:$0x2], $0x2000, $0x38;
	[tilespmem:$0x1A100] =	vst v63  }
0x31: {  	_ =	swait.ge [sflag:s19], $0x2000  }
0x32: {  	[sflag:s19] =	ssyncset.done $0x0  }
0x33: {  	[sflag:s19] =	ssyncadd.s32 $0xFFFFE000  }
0x34: {  	[spmem:s12] =	stream.linear.scatter [tilespmem:s18], [sflag:$0x2], $0x2000, $0x38;
	[tilespmem:$0x1A100] =	vst v63  }
0x35: {  	_ =	swait.ge [sflag:s19], $0x2000  }
0x36: {  	[sflag:s19] =	ssyncset.done $0x0  }
0x37: {  	[sflag:s19] =	ssyncadd.s32 $0xFFFFE000  }
0x38: {  	[spmem:s13] =	stream.linear.scatter [tilespmem:s18], [sflag:$0x2], $0x2000, $0x38;
	[tilespmem:$0x1A100] =	vst v63  }
0x39: {  	_ =	swait.ge [sflag:s19], $0x2000  }
0x3a: {  	[sflag:s19] =	ssyncset.done $0x0  }
0x3b: {  	[sflag:s19] =	ssyncadd.s32 $0xFFFFE000  }
0x3c: {  	[spmem:s14] =	stream.linear.scatter [tilespmem:s18], [sflag:$0x2], $0x2000, $0x38;
	[tilespmem:$0x1A100] =	vst v63  }
0x3d: {  	_ =	swait.ge [sflag:s19], $0x2000  }
0x3e: {  	[sflag:s19] =	ssyncset.done $0x0  }
0x3f: {  	[sflag:s19] =	ssyncadd.s32 $0xFFFFE000  }
0x40: {  	[spmem:s15] =	stream.linear.scatter [tilespmem:s18], [sflag:$0x2], $0x2000, $0x38;
	[tilespmem:$0x1A100] =	vst v63  }
0x41: {  	_ =	swait.ge [sflag:s19], $0x2000  }
0x42: {  	[sflag:s19] =	ssyncset.done $0x0  }
0x43: {  	[sflag:s19] =	ssyncadd.s32 $0xFFFFE000  }
0x44: {  	s25 =	sadd.s32 $0x0, s17;
	[bflag:$0x0] =	sbarrier.arrive $0xFFFF  }
0x45: {  	[tilespmem:s4], [sflag:$0x2] =	stream.linear.gather [hbm4b:s25+s4], $0x80, $0x38;
	[tilespmem:$0x1A100] =	vst v63  }
0x46: {  	_ =	swait.ge [sflag:s19], $0x80  }
0x47: {  	[sflag:s19] =	ssyncset.done $0x0  }
0x48: {  	s31 =	sadd.s32 $0x0, s16;
	[sflag:s19] =	ssyncadd.s32 $0xFFFFFF80  }
0x49: {  	[tilespmem:s20], [sflag:$0x2] =	stream.linear.gather [hbm4b:s31+s4], $0x80, $0x38;
	[tilespmem:$0x1A100] =	vst v63  }
0x4a: {  	_ =	swait.ge [sflag:s19], $0x80  }
0x4b: {  	[sflag:s19] =	ssyncset.done $0x0  }
0x4c: {  	[sflag:s19] =	ssyncadd.s32 $0xFFFFFF80  }
0x4d: {  	[tilespmem:s21], [sflag:$0x1] =	stream.indirect.gather [hbm4b:s1+s20], $0x80, s4, s20, $0xb8;
	[tilespmem:$0x1A100] =	vst v63  }
0x4e: {  	_ =	swait.ge [sflag:s22], $0x4000  }
0x4f: {  	[sflag:s22] =	ssyncset.done $0x0  }
0x50: {  	[sflag:s22] =	ssyncadd.s32 $0xFFFFC000  }
0x51: {  	[spmem:s2] =	stream.indirect.scatter.add.f32 [tilespmem:s21], [sflag:$0x2], $0x80, s20, s20, $0xb8;
	[tilespmem:$0x1A100] =	vst v63  }
0x52: {  	_ =	swait.ge [sflag:s19], $0x4000  }
0x53: {  	s26 =	simm.s32 $0x20;
	s25 =	simm.s32 $0x10;
	[sflag:s19] =	ssyncset.done $0x0  }
.LBB2_4:
0x54: {  	s28 =	sadd.s32 s25, s17  }
0x55: {  	[sflag:s19] =	ssyncadd.s32 $0xFFFFC000;
	s29 =	smov.u32 s26;
	s30 =	sadd.s32 $0x10, s26  }
0x56: {  	[tilespmem:s4], [sflag:$0x2] =	stream.linear.gather [hbm4b:s28+s4], $0x80, $0x38;
	[tilespmem:$0x1A100] =	vst v63  }
0x57: {  	p0 =	sne.s32 s26, $0x4F0;
	_ =	swait.ge [sflag:s19], $0x80  }
0x58: {  	[sflag:s19] =	ssyncset.done $0x0  }
0x59: {  	s26 =	sadd.s32 s25, s16;
	s25 =	smov.u32 s29;
	[sflag:s19] =	ssyncadd.s32 $0xFFFFFF80  }
0x5a: {  	[tilespmem:s20], [sflag:$0x2] =	stream.linear.gather [hbm4b:s26+s4], $0x80, $0x38;
	[tilespmem:$0x1A100] =	vst v63  }
0x5b: {  	_ =	swait.ge [sflag:s19], $0x80  }
0x5c: {  	[sflag:s19] =	ssyncset.done $0x0  }
0x5d: {  	[sflag:s19] =	ssyncadd.s32 $0xFFFFFF80  }
0x5e: {  	[tilespmem:s21], [sflag:$0x1] =	stream.indirect.gather [hbm4b:s1+s20], $0x80, s4, s20, $0xb8;
	[tilespmem:$0x1A100] =	vst v63  }
0x5f: {  	_ =	swait.ge [sflag:s22], $0x4000  }
.Ltmp1:
0x60: {  	[sflag:s22] =	ssyncset.done $0x0;
	(pc) =	sbr.rel @p0 .LBB2_4-.Ltmp1, $4  }
0x61: {  	[sflag:s22] =	ssyncadd.s32 $0xFFFFC000  }
0x62: {  	[spmem:s2] =	stream.indirect.scatter.add.f32 [tilespmem:s21], [sflag:$0x2], $0x80, s20, s20, $0xb8;
	[tilespmem:$0x1A100] =	vst v63  }
0x63: {  	_ =	swait.ge [sflag:s19], $0x4000  }
0x64: {  	s26 =	smov.u32 s30;
	[sflag:s19] =	ssyncset.done $0x0  }
0x65: {  	s26 =	sadd.s32 s25, s17;
	[sflag:s19] =	ssyncadd.s32 $0xFFFFC000  }
0x66: {  	[tilespmem:s4], [sflag:$0x2] =	stream.linear.gather [hbm4b:s26+s4], $0x80, $0x38;
	[tilespmem:$0x1A100] =	vst v63  }
0x67: {  	_ =	swait.ge [sflag:s19], $0x80  }
0x68: {  	[sflag:s19] =	ssyncset.done $0x0  }
0x69: {  	s29 =	sadd.s32 s25, s16;
	[sflag:s19] =	ssyncadd.s32 $0xFFFFFF80  }
0x6a: {  	[tilespmem:s20], [sflag:$0x2] =	stream.linear.gather [hbm4b:s29+s4], $0x80, $0x38;
	[tilespmem:$0x1A100] =	vst v63  }
0x6b: {  	_ =	swait.ge [sflag:s19], $0x80  }
0x6c: {  	[sflag:s19] =	ssyncset.done $0x0  }
0x6d: {  	[sflag:s19] =	ssyncadd.s32 $0xFFFFFF80  }
0x6e: {  	[tilespmem:s21], [sflag:$0x1] =	stream.indirect.gather [hbm4b:s1+s20], $0x80, s4, s20, $0xb8;
	[tilespmem:$0x1A100] =	vst v63  }
0x6f: {  	_ =	swait.ge [sflag:s22], $0x4000  }
0x70: {  	[sflag:s22] =	ssyncset.done $0x0  }
0x71: {  	[sflag:s22] =	ssyncadd.s32 $0xFFFFC000  }
0x72: {  	[spmem:s2] =	stream.indirect.scatter.add.f32 [tilespmem:s21], [sflag:$0x2], $0x80, s20, s20, $0xb8;
	[tilespmem:$0x1A100] =	vst v63  }
0x73: {  	_ =	swait.ge [sflag:s19], $0x4000  }
0x74: {  	s30 =	sshll.u32 s3, $0x6;
	s24 =	sadd.s32 $0x1, s24;
	[sflag:s19] =	ssyncset.done $0x0  }
0x75: {  	s31 =	sshrl.u32 s5, $0x3;
	p0 =	sne.s32 s24, s6;
	[sflag:s19] =	ssyncadd.s32 $0xFFFFC000  }
.Ltmp2:
0x76: {  	s25 =	sor.u32 $0x1C02, s30;
	[bflag:$0x0] =	sbarrier.arrive $0xFFFF;
	(pc) =	sbr.rel @p0 .LBB2_1-.Ltmp2, $4  }
0x77: {  	[hbm:s23], [sflag:s25] =	dma.local [spmem:s31], $0x2800  }
0x78: {  	_ =	swait.ge [sflag:s19], $0x2800  }
0x79: {  	[sflag:s19] =	ssyncset.done $0x0  }
0x7a: {  	[sflag:s19] =	ssyncadd.s32 $0xFFFFD800  }
0x7b: {  	_ =	sfence.sel $0x180000  }
0x7c: {  	[bflag:$0x0] =	sbarrier.arrive $0xFFFF  }
0x7d: {  	p0 =	sne.s32 s3, $0x0;
	_ =	strace $0x90000047  }
0x7e: {  	s0 =	sadd.s32 @!p0 $0x100000, s0;
	[bflag:$0x2] =	sbarrier.arrive $0xFFFF  }
0x7f: {  	[sflag:s0] =	ssyncadd.tile.s32 @!p0 $0x1;
	_ =	shalt  }
.Lfunc_end2:
_tile_overlayer_lowered:
.L_overlay_start_2:
0x80: {  	(tag) =	ssettag $0x2  }
0x81: {  	s0 =	rddreg [dreg:$0x0];
	s2 =	stileid.u32  }
0x82: {  	s1 =	rddreg [dreg:$0x1];
	p0 =	sne.s32 s2, $0x0  }
0x83: {  	s3 =	rddreg [dreg:$0x2];
	[bflag:$0x3] =	sbarrier.arrive $0xFFFF;
	s2 =	simm.s32 @!p0 $0x1C02  }
0x84: {  	[timem:s3], [sflag:s2] =	dma.local @!p0 [hbm:s0], s1  }
0x85: {  	s0 =	simm.s32 @!p0 $0x2  }
0x86: {  	_ =	swait.ge @!p0 [sflag:s0], s1  }
0x87: {  	s1 =	ssub.s32 @!p0 $0x0, s1;
	[sflag:s0] =	ssyncset.done @!p0 $0x0  }
0x88: {  	[sflag:s0] =	ssyncadd.s32 @!p0 s1  }
0x89: {  	[bflag:$0x3] =	sbarrier.arrive $0xFFFF  }
0x8a: {  	_ =	shalt  }

// kernel: kernel.13.cloned.1.call-start
scs
__scs_entry_jumppad:
0x0: {  	(pc) =	sbr.rel $0x88, $3  }
0x1: {  	(tag) =	ssettag $0x0;
	lr =	simm.s32 $0x1  }
0x2: {  	[smem:$0x3F90] =	sst lr;
	_ =	strace $0xD0000000  }
0x3: {  	_ = 	snop  }
0x4: {  	_ = 	snop  }
0x5: {  	_ = 	snop  }
0x6: {  	_ = 	snop  }
0x7: {  	_ = 	snop  }
__scs_overlays_trampoline_lowered:
0x8: {  	[smem:$0x3F9F] =	sst s0  }
0x9: {  	[smem:$0x3FA0] =	sst s1  }
0xa: {  	[smem:$0x3FA1] =	sst s2  }
0xb: {  	[smem:$0x3FA2] =	sst s3  }
0xc: {  	[smem:$0x3FA3] =	sst s4  }
0xd: {  	[smem:$0x3FA4] =	sst s5  }
0xe: {  	[smem:$0x3FA5] =	sst s6  }
0xf: {  	[smem:$0x3FA6] =	sst s7  }
0x10: {  	[smem:$0x3FA7] =	sst s8  }
0x11: {  	[smem:$0x3FA8] =	sst s9;
	s0 =	simm.s32 @!p0 $0x0  }
0x12: {  	s1 =	sld [smem:$0x3F8E];
	s0 =	simm.s32 @p0 $0x1  }
0x13: {  	[smem:$0x3FA9] =	sst s0;
	s0 =	simm.s32 @!p1 $0x0  }
0x14: {  	s2 =	sld [smem:$0x3F8D];
	s0 =	simm.s32 @p1 $0x1  }
0x15: {  	[smem:$0x3FAA] =	sst s0;
	s0 =	simm.s32 @!p2 $0x0  }
0x16: {  	s3 =	sld [smem:$0x3FDB];
	s0 =	simm.s32 @p2 $0x1  }
0x17: {  	s4 =	simm.s32 $0x1BF5;
	[smem:$0x3FAC] =	sst s0  }
0x18: {  	s0 =	sld [smem:$0x3F8F];
	_ =	swait.ge [sflag:s4], $0x0  }
0x19: {  	s7 =	sld [smem:$0x3F90]  }
0x1a: {  	s8 =	sadd.s32 $0xFFFFE003, lr  }
0x1b: {  	s9 =	sadd.s32 $0xFFFFFEF7, lr;
	s5 =	simm.s32 $0xFFFFFFFF;
	p2 =	slt.u32 s8, $0xFFFFF086  }
0x1c: {  	p1 =	slt.u32 s9, $0xF7A;
	s5 =	simm.s32 @!p2 $0x0  }
0x1d: {  	s5 =	simm.s32 @p1 $0x1;
	p0 =	seq.s32 s7, s2  }
0x1e: {  	s7 =	smul.u32 @!p0 $0xF7A, s2;
	p2 =	seq.s32 @!p0 s5, $0x0  }
0x1f: {  	s9 =	smul.u32 $0xF7A, s1;
	s8 =	simm.s32 @!p0 $0x1BF5;
	p2 =	por !p2, p0  }
0x20: {  	[sflag:s8] =	ssyncset.s32 @!p0 $0xFFFFF086;
	s6 =	sadd.s32 @!p0 s3, s7;
	s7 =	simm.s32 @!p0 $0x108  }
0x21: {  	s3 =	sadd.s32 s3, s9;
	s6 =	sadd.s32 @!p0 $0x88, s6;
	s7 =	simm.s32 @p2 $0x1082  }
0x22: {  	[simem:s7], [sflag:s8] =	dma.local @!p0 [hbm:s6], $0xF7A  }
0x23: {  	s9 =	sor.u32 $0xD0000000, s2;
	s6 =	simm.s32 $0x108;
	_ =	swait.ge @!p0 [sflag:s8], $0x0  }
0x24: {  	s3 =	sadd.s32 $0x88, s3;
	s6 =	simm.s32 @!p1 $0x1082;
	[sflag:s4] =	ssyncset.s32 $0xFFFFF086  }
0x25: {  	[simem:s6], [sflag:s4] =	dma.local [hbm:s3], $0xF7A  }
0x26: {  	[smem:$0x3F90] =	sst s1;
	(tag) =	ssettag s2;
	_ =	strace s9  }
0x27: {  	s1 =	sld [smem:$0x3FA0]  }
0x28: {  	s2 =	sld [smem:$0x3FA1]  }
0x29: {  	s4 =	sld [smem:$0x3FA3]  }
0x2a: {  	p0 =	seq.s32 s5, $0x0;
	s5 =	sld [smem:$0x3FA4]  }
0x2b: {  	s6 =	sld [smem:$0x3FA5]  }
0x2c: {  	s7 =	sld [smem:$0x3FA6]  }
0x2d: {  	s3 =	simm.s32 $0x108;
	s8 =	sld [smem:$0x3FA7]  }
0x2e: {  	s3 =	simm.s32 @!p0 $0x1082;
	s9 =	sld [smem:$0x3FA8]  }
0x2f: {  	lr =	sadd.s32 s0, s3;
	s0 =	sld [smem:$0x3F9F]  }
0x30: {  	s3 =	sld [smem:$0x3FA2]  }
0x31: {  	[smem:$0x3FAB] =	sst s10  }
0x32: {  	s10 =	sld [smem:$0x3FA9];
	_ =	sdelay $0x3  }
0x33: {  	p0 =	seq.s32 s10, $0x1;
	s10 =	sld [smem:$0x3FAB];
	_ =	sdelay $0x3  }
0x34: {  	[smem:$0x3FAB] =	sst s10  }
0x35: {  	s10 =	sld [smem:$0x3FAA];
	_ =	sdelay $0x3  }
0x36: {  	p1 =	seq.s32 s10, $0x1;
	s10 =	sld [smem:$0x3FAB];
	_ =	sdelay $0x3  }
0x37: {  	[smem:$0x3FAB] =	sst s10  }
0x38: {  	s10 =	sld [smem:$0x3FAC]  }
0x39: {  	_ = 	snop;
	(pc) =	sbr.ind lr, $3  }
0x3a: {  	_ = 	snop  }
0x3b: {  	_ = 	snop  }
0x3c: {  	p2 =	seq.s32 s10, $0x1;
	s10 =	sld [smem:$0x3FAB]  }
0x3d: {  	_ =	shalt  }
0x3e: {  	_ =	shalt  }
0x3f: {  	_ =	shalt  }
0x40: {  	_ =	shalt  }
0x41: {  	_ =	shalt  }
0x42: {  	_ =	shalt  }
0x43: {  	_ =	shalt  }
0x44: {  	_ =	shalt  }
0x45: {  	_ =	shalt  }
0x46: {  	_ =	shalt  }
0x47: {  	_ =	shalt  }
0x48: {  	_ =	shalt  }
0x49: {  	_ =	shalt  }
0x4a: {  	_ =	shalt  }
0x4b: {  	_ =	shalt  }
0x4c: {  	_ =	shalt  }
0x4d: {  	_ =	shalt  }
0x4e: {  	_ =	shalt  }
0x4f: {  	_ =	shalt  }
0x50: {  	_ =	shalt  }
0x51: {  	_ =	shalt  }
0x52: {  	_ =	shalt  }
0x53: {  	_ =	shalt  }
0x54: {  	_ =	shalt  }
0x55: {  	_ =	shalt  }
0x56: {  	_ =	shalt  }
0x57: {  	_ =	shalt  }
0x58: {  	_ =	shalt  }
0x59: {  	_ =	shalt  }
0x5a: {  	_ =	shalt  }
0x5b: {  	_ =	shalt  }
0x5c: {  	_ =	shalt  }
0x5d: {  	_ =	shalt  }
0x5e: {  	_ =	shalt  }
0x5f: {  	_ =	shalt  }
0x60: {  	_ =	shalt  }
0x61: {  	_ =	shalt  }
0x62: {  	_ =	shalt  }
0x63: {  	_ =	shalt  }
0x64: {  	_ =	shalt  }
0x65: {  	_ =	shalt  }
0x66: {  	_ =	shalt  }
0x67: {  	_ =	shalt  }
0x68: {  	_ =	shalt  }
0x69: {  	_ =	shalt  }
0x6a: {  	_ =	shalt  }
0x6b: {  	_ =	shalt  }
0x6c: {  	_ =	shalt  }
0x6d: {  	_ =	shalt  }
0x6e: {  	_ =	shalt  }
0x6f: {  	_ =	shalt  }
0x70: {  	_ =	shalt  }
0x71: {  	_ =	shalt  }
0x72: {  	_ =	shalt  }
0x73: {  	_ =	shalt  }
0x74: {  	_ =	shalt  }
0x75: {  	_ =	shalt  }
0x76: {  	_ =	shalt  }
0x77: {  	_ =	shalt  }
0x78: {  	_ =	shalt  }
0x79: {  	_ =	shalt  }
0x7a: {  	_ =	shalt  }
0x7b: {  	_ =	shalt  }
0x7c: {  	_ =	shalt  }
0x7d: {  	_ =	shalt  }
0x7e: {  	_ =	shalt  }
0x7f: {  	_ =	shalt  }
0x80: {  	_ =	shalt  }
0x81: {  	_ =	shalt  }
0x82: {  	_ =	shalt  }
0x83: {  	_ =	shalt  }
0x84: {  	_ =	shalt  }
0x85: {  	_ =	shalt  }
0x86: {  	_ =	shalt  }
0x87: {  	_ =	shalt  }
.Lfunc_end0:
.L_simem_size_0:
called_computation.1_lowered:
.L_overlay_start_0:
0x88: {  	s2 =	sld [smem:$0x3FD9]  }
0x89: {  	s3 =	sld [smem:$0x3FFE];
	_ =	sdelay $0x1  }
0x8a: {  	s1 =	srdreg.scid  }
0x8b: {  	s0 =	sand.u32 $0x1, s1  }
0x8c: {  	s14 =	sshll.u32 s0, $0xA;
	s2 =	sadd.s32 s3, s2  }
0x8d: {  	s2 =	sadd.s32 s2, s14  }
0x8e: {  	[smem:$0x3FB7] =	sst s2  }
0x8f: {  	_ = 	snop  }
0x90: {  	s2 =	sld [smem:$0x3FD0];
	_ =	sdelay $0x2  }
0x91: {  	s15 =	simm.s32 $0xA;
	s4 =	simm.s32 $0x10  }
0x92: {  	[smem:s4], [sflag:s15] =	dma.local [hbm:s2], $0x1  }
0x93: {  	_ =	swait.eq [sflag:s15], $0x1  }
0x94: {  	[sflag:s15] =	ssyncset.done $0x0  }
0x95: {  	[sflag:s15] =	ssyncadd.s32 $0xFFFFFFFF  }
0x96: {  	s16 =	sld [smem:$0x11];
	(tm) =	ssettm $0x1  }
0x97: {  	s17 =	sld [smem:$0x3FFB];
	_ =	sdelay $0x3  }
0x98: {  	_ =	strace s17  }
0x99: {  	s3 =	sld [smem:$0x3FFC];
	_ =	sdelay $0x3  }
0x9a: {  	_ =	strace s3  }
0x9b: {  	s3 =	sld [smem:$0x3FFD];
	_ =	sdelay $0x3  }
0x9c: {  	_ =	strace s3  }
0x9d: {  	_ =	strace $0x8FFFFFFF  }
0x9e: {  	s18 =	sld [smem:$0x3FDB];
	_ =	sdelay $0x1  }
0x9f: {  	s19 =	simm.s32 $_scs_section_size  }
0xa0: {  	s5 =	simm.s32 $_size__tile_overlayer_lowered;
	s6 =	simm.s32 $_tile_overlayer_lowered  }
0xa1: {  	s22 =	simm.s32 $0x1BFF;
	s21 =	sshll.u32 s6, $0x1;
	s3 =	sadd.s32 s19, s18  }
0xa2: {  	s7 =	simm.s32 $0x0;
	s20 =	sshll.u32 s5, $0x1;
	s5 =	sadd.s32 s21, s3  }
0xa3: {  	[timem:s7], [sflag:s22] =	dma.local [hbm:s5], s20  }
0xa4: {  	_ =	swait.ge [sflag:s22], s20  }
0xa5: {  	s4 =	ssub.s32 $0x0, s20;
	[sflag:s22] =	ssyncset.done $0x0  }
0xa6: {  	[sflag:s22] =	ssyncadd.s32 s4;
	_ =	sdelay $0x1  }
0xa7: {  	s23 =	simm.s32 $0x1B8B  }
0xa8: {  	_ =	swait.ge [sflag:s23], $0x1  }
0xa9: {  	[sflag:s23] =	ssyncset.done $0x0  }
0xaa: {  	s25 =	simm.s32 $0x1B8E;
	s24 =	sld [smem:$0x3FFE];
	[sflag:s23] =	ssyncadd.s32 $0xFFFFFFFF  }
0xab: {  	s26 =	simm.s32 $execute0_lowered;
	[smem:$0x3FD2] =	sst s25  }
0xac: {  	s5 =	sshll.u32 s26, $0x1;
	_ =	strace $0x80000049;
	[dreg:$0x1] =	wrdreg $0xFFFFFFFF  }
0xad: {  	s28 =	simm.s32 $_size_execute0_lowered;
	s3 =	sadd.s32 s3, s5;
	[dreg:$0x0] =	wrdreg $0x0  }
0xae: {  	s5 =	sshll.u32 s28, $0x1;
	[dreg:$0x2] =	wrdreg s3  }
0xaf: {  	[dreg:$0x3] =	wrdreg s5  }
0xb0: {  	[dreg:$0x4] =	wrdreg $0xC0  }
0xb1: {  	_ =	task [dreg:s7], $0x5FFFF  }
0xb2: {  	[dreg:$0x1] =	wrdreg $0xFFFFFFFF  }
0xb3: {  	[dreg:$0x0] =	wrdreg $0x60  }
0xb4: {  	[dreg:$0x2] =	wrdreg s16  }
0xb5: {  	[dreg:$0x3] =	wrdreg s24  }
0xb6: {  	[dreg:$0x4] =	wrdreg $0x61000  }
0xb7: {  	[dreg:$0x5] =	wrdreg $0x9  }
0xb8: {  	_ =	task.clear_ibuf [dreg:s7], $0x6FFFF;
	_ =	strace $0x90000049  }
0xb9: {  	s29 =	simm.s32 $0x9;
	_ =	strace $0x8000004B  }
0xba: {  	_ =	swait.ge [sflag:s29], $0x1  }
0xbb: {  	[sflag:s29] =	ssyncadd.s32 $0xFFFFFFFF  }
0xbc: {  	_ =	strace $0x9000004B  }
0xbd: {  	_ =	sfence  }
0xbe: {  	s30 =	sld [smem:$0x0];
	_ =	sdelay $0x2  }
0xbf: {  	s31 =	sshll.u32 s1, $0xD;
	s1 =	sshrl.u32 s1, $0x2  }
0xc0: {  	s3 =	sand.u32 $0x4000, s31;
	s1 =	sadd.s32 s1, s30  }
0xc1: {  	s0 =	sor.u32 s3, s0;
	s1 =	sshll.u32 s1, $0x11  }
0xc2: {  	s0 =	sor.u32 s1, s0  }
0xc3: {  	s0 =	sadd.s32 $0x8F2B, s0  }
0xc4: {  	[sflag:s0] =	ssyncadd.remote.s32 $0x1  }
0xc5: {  	_ =	sfence.sel $0xFFFF  }
0xc6: {  	[dreg:$0x0] =	wrdreg $0xFFFFFFFF;
	(pc) =	sbr.abs _section_cstart, $3  }
0xc7: {  	[dreg:$0x1] =	wrdreg $0xFFFFFFFF  }
0xc8: {  	_ =	task.clear_ibuf [dreg:s7], $0x2FFFF;
	_ =	strace $0x9FFFFFFF  }
0xc9: {  	(tm) =	ssettm $0x7FFFFFFF  }
tec
execute0_lowered:
.L_overlay_start_1:
0x0: {  	(tag) =	ssettag $0x1  }
0x1: {  	s1 =	rddreg [dreg:$0x0]  }
0x2: {  	s5 =	rddreg [dreg:$0x1]  }
0x3: {  	s0 =	srdreg.scid;
	s2 =	rddreg [dreg:$0x2]  }
0x4: {  	s4 =	simm.s32 $0x0;
	s3 =	stileid.u32;
	s18 =	simm.s32 $0x4100  }
0x5: {  	s19 =	simm.s32 $0x2;
	s20 =	simm.s32 $0x80;
	s9 =	smul.u32 $0x50000, s3  }
0x6: {  	s21 =	simm.s32 $0x100;
	s6 =	sand.u32 $0x1, s0;
	s24 =	smul.u32 $0x2800, s3  }
0x7: {  	s22 =	simm.s32 $0x1;
	s0 =	rddreg [dreg:$0x3];
	s7 =	smul.u32 $0x5000, s6  }
0x8: {  	[smem:$0x7FF] =	sst s4;
	s8 =	smul.u32 $0x28000, s6;
	s6 =	ssub.s32 $0x2, s6  }
0x9: {  	s17 =	smul.u32 $0x500, s3;
	_ =	strace $0x8000004A;
	s30 =	sshrl.u32 s6, $0x1  }
0xa: {  	s31 =	sshrl.u32 s9, $0x2;
	s16 =	sadd.s32 s7, s5;
	s8 =	sadd.s32 s8, s5  }
0xb: {  	s6 =	ssub.s32 s6, s30;
	s5 =	sadd.s32 s31, s2;
	s23 =	sadd.s32 $0x3EE00, s8  }
0xc: {  	s6 =	smax.u32 s6, $0x1;
	s7 =	sadd.s32 $0x2000, s5;
	s8 =	sadd.s32 $0x4000, s5  }
0xd: {  	s9 =	sadd.s32 $0x6000, s5;
	s10 =	sadd.s32 $0x8000, s5;
	s11 =	sadd.s32 $0xA000, s5  }
0xe: {  	s12 =	sadd.s32 $0xC000, s5;
	s13 =	sadd.s32 $0xE000, s5;
	s17 =	sadd.s32 s17, s16  }
0xf: {  	s14 =	sadd.s32 $0x10000, s5;
	s15 =	sadd.s32 $0x12000, s5;
	s16 =	sadd.s32 $0xDC00, s17  }
0x10: {  	v0 =	vimm.f32 $0.0e+00;
	s17 =	sadd.s32 $0x3C00, s17;
	s23 =	sadd.s32 s24, s23;
	s24 =	simm.s32 $0x0  }
.LBB2_1:
0x11: {  	s25 =	sand.u32 $0x7E00, s4  }
0x12: {  	s26 =	sand.u32 $0x70, s4;
	s28 =	sshrl.u32 s25, $0x2  }
0x13: {  	s25 =	simm.s32 $0x40;
	s28 =	sor.u32 s26, s28;
	s26 =	simm.s32 $0x0  }
.LBB2_2:
0x14: {  	p0 =	sne.s32 s25, $0x7FC0  }
0x15: {  	[tilespmem:s28+$0x4100] =	vst v0;
	s26 =	sadd.s32 $0x10, s26;
	s28 =	smov.u32 s25;
	s25 =	sadd.s32 $0x40, s25  }
.Ltmp0:
0x16: {  	(pc) =	sbr.rel @p0 .LBB2_2-.Ltmp0, $4  }
0x17: {  	_ = 	snop  }
0x18: {  	s28 =	sand.u32 $0x7E00, s28  }
0x19: {  	s29 =	sand.u32 $0x70, s26;
	s28 =	sshrl.u32 s28, $0x2  }
0x1a: {  	s28 =	sor.u32 s29, s28  }
0x1b: {  	[tilespmem:s28+$0x4100] =	vst v0  }
0x1c: {  	[spmem:s5] =	stream.linear.scatter [tilespmem:s18], [sflag:$0x2], $0x2000, $0x38;
	[tilespmem:$0x1A100] =	vst v63  }
0x1d: {  	_ =	swait.ge [sflag:s19], $0x2000  }
0x1e: {  	[sflag:s19] =	ssyncset.done $0x0  }
0x1f: {  	[sflag:s19] =	ssyncadd.s32 $0xFFFFE000  }
0x20: {  	[spmem:s7] =	stream.linear.scatter [tilespmem:s18], [sflag:$0x2], $0x2000, $0x38;
	[tilespmem:$0x1A100] =	vst v63  }
0x21: {  	_ =	swait.ge [sflag:s19], $0x2000  }
0x22: {  	[sflag:s19] =	ssyncset.done $0x0  }
0x23: {  	[sflag:s19] =	ssyncadd.s32 $0xFFFFE000  }
0x24: {  	[spmem:s8] =	stream.linear.scatter [tilespmem:s18], [sflag:$0x2], $0x2000, $0x38;
	[tilespmem:$0x1A100] =	vst v63  }
0x25: {  	_ =	swait.ge [sflag:s19], $0x2000  }
0x26: {  	[sflag:s19] =	ssyncset.done $0x0  }
0x27: {  	[sflag:s19] =	ssyncadd.s32 $0xFFFFE000  }
0x28: {  	[spmem:s9] =	stream.linear.scatter [tilespmem:s18], [sflag:$0x2], $0x2000, $0x38;
	[tilespmem:$0x1A100] =	vst v63  }
0x29: {  	_ =	swait.ge [sflag:s19], $0x2000  }
0x2a: {  	[sflag:s19] =	ssyncset.done $0x0  }
0x2b: {  	[sflag:s19] =	ssyncadd.s32 $0xFFFFE000  }
0x2c: {  	[spmem:s10] =	stream.linear.scatter [tilespmem:s18], [sflag:$0x2], $0x2000, $0x38;
	[tilespmem:$0x1A100] =	vst v63  }
0x2d: {  	_ =	swait.ge [sflag:s19], $0x2000  }
0x2e: {  	[sflag:s19] =	ssyncset.done $0x0  }
0x2f: {  	[sflag:s19] =	ssyncadd.s32 $0xFFFFE000  }
0x30: {  	[spmem:s11] =	stream.linear.scatter [tilespmem:s18], [sflag:$0x2], $0x2000, $0x38;
	[tilespmem:$0x1A100] =	vst v63  }
0x31: {  	_ =	swait.ge [sflag:s19], $0x2000  }
0x32: {  	[sflag:s19] =	ssyncset.done $0x0  }
0x33: {  	[sflag:s19] =	ssyncadd.s32 $0xFFFFE000  }
0x34: {  	[spmem:s12] =	stream.linear.scatter [tilespmem:s18], [sflag:$0x2], $0x2000, $0x38;
	[tilespmem:$0x1A100] =	vst v63  }
0x35: {  	_ =	swait.ge [sflag:s19], $0x2000  }
0x36: {  	[sflag:s19] =	ssyncset.done $0x0  }
0x37: {  	[sflag:s19] =	ssyncadd.s32 $0xFFFFE000  }
0x38: {  	[spmem:s13] =	stream.linear.scatter [tilespmem:s18], [sflag:$0x2], $0x2000, $0x38;
	[tilespmem:$0x1A100] =	vst v63  }
0x39: {  	_ =	swait.ge [sflag:s19], $0x2000  }
0x3a: {  	[sflag:s19] =	ssyncset.done $0x0  }
0x3b: {  	[sflag:s19] =	ssyncadd.s32 $0xFFFFE000  }
0x3c: {  	[spmem:s14] =	stream.linear.scatter [tilespmem:s18], [sflag:$0x2], $0x2000, $0x38;
	[tilespmem:$0x1A100] =	vst v63  }
0x3d: {  	_ =	swait.ge [sflag:s19], $0x2000  }
0x3e: {  	[sflag:s19] =	ssyncset.done $0x0  }
0x3f: {  	[sflag:s19] =	ssyncadd.s32 $0xFFFFE000  }
0x40: {  	[spmem:s15] =	stream.linear.scatter [tilespmem:s18], [sflag:$0x2], $0x2000, $0x38;
	[tilespmem:$0x1A100] =	vst v63  }
0x41: {  	_ =	swait.ge [sflag:s19], $0x2000  }
0x42: {  	[sflag:s19] =	ssyncset.done $0x0  }
0x43: {  	[sflag:s19] =	ssyncadd.s32 $0xFFFFE000  }
0x44: {  	s25 =	sadd.s32 $0x0, s17;
	[bflag:$0x0] =	sbarrier.arrive $0xFFFF  }
0x45: {  	[tilespmem:s4], [sflag:$0x2] =	stream.linear.gather [hbm4b:s25+s4], $0x80, $0x38;
	[tilespmem:$0x1A100] =	vst v63  }
0x46: {  	_ =	swait.ge [sflag:s19], $0x80  }
0x47: {  	[sflag:s19] =	ssyncset.done $0x0  }
0x48: {  	s31 =	sadd.s32 $0x0, s16;
	[sflag:s19] =	ssyncadd.s32 $0xFFFFFF80  }
0x49: {  	[tilespmem:s20], [sflag:$0x2] =	stream.linear.gather [hbm4b:s31+s4], $0x80, $0x38;
	[tilespmem:$0x1A100] =	vst v63  }
0x4a: {  	_ =	swait.ge [sflag:s19], $0x80  }
0x4b: {  	[sflag:s19] =	ssyncset.done $0x0  }
0x4c: {  	[sflag:s19] =	ssyncadd.s32 $0xFFFFFF80  }
0x4d: {  	[tilespmem:s21], [sflag:$0x1] =	stream.indirect.gather [hbm4b:s1+s20], $0x80, s4, s20, $0xb8;
	[tilespmem:$0x1A100] =	vst v63  }
0x4e: {  	_ =	swait.ge [sflag:s22], $0x4000  }
0x4f: {  	[sflag:s22] =	ssyncset.done $0x0  }
0x50: {  	[sflag:s22] =	ssyncadd.s32 $0xFFFFC000  }
0x51: {  	[spmem:s2] =	stream.indirect.scatter.add.f32 [tilespmem:s21], [sflag:$0x2], $0x80, s20, s20, $0xb8;
	[tilespmem:$0x1A100] =	vst v63  }
0x52: {  	_ =	swait.ge [sflag:s19], $0x4000  }
0x53: {  	s26 =	simm.s32 $0x20;
	s25 =	simm.s32 $0x10;
	[sflag:s19] =	ssyncset.done $0x0  }
.LBB2_4:
0x54: {  	s28 =	sadd.s32 s25, s17  }
0x55: {  	[sflag:s19] =	ssyncadd.s32 $0xFFFFC000;
	s29 =	smov.u32 s26;
	s30 =	sadd.s32 $0x10, s26  }
0x56: {  	[tilespmem:s4], [sflag:$0x2] =	stream.linear.gather [hbm4b:s28+s4], $0x80, $0x38;
	[tilespmem:$0x1A100] =	vst v63  }
0x57: {  	p0 =	sne.s32 s26, $0x4F0;
	_ =	swait.ge [sflag:s19], $0x80  }
0x58: {  	[sflag:s19] =	ssyncset.done $0x0  }
0x59: {  	s26 =	sadd.s32 s25, s16;
	s25 =	smov.u32 s29;
	[sflag:s19] =	ssyncadd.s32 $0xFFFFFF80  }
0x5a: {  	[tilespmem:s20], [sflag:$0x2] =	stream.linear.gather [hbm4b:s26+s4], $0x80, $0x38;
	[tilespmem:$0x1A100] =	vst v63  }
0x5b: {  	_ =	swait.ge [sflag:s19], $0x80  }
0x5c: {  	[sflag:s19] =	ssyncset.done $0x0  }
0x5d: {  	[sflag:s19] =	ssyncadd.s32 $0xFFFFFF80  }
0x5e: {  	[tilespmem:s21], [sflag:$0x1] =	stream.indirect.gather [hbm4b:s1+s20], $0x80, s4, s20, $0xb8;
	[tilespmem:$0x1A100] =	vst v63  }
0x5f: {  	_ =	swait.ge [sflag:s22], $0x4000  }
.Ltmp1:
0x60: {  	[sflag:s22] =	ssyncset.done $0x0;
	(pc) =	sbr.rel @p0 .LBB2_4-.Ltmp1, $4  }
0x61: {  	[sflag:s22] =	ssyncadd.s32 $0xFFFFC000  }
0x62: {  	[spmem:s2] =	stream.indirect.scatter.add.f32 [tilespmem:s21], [sflag:$0x2], $0x80, s20, s20, $0xb8;
	[tilespmem:$0x1A100] =	vst v63  }
0x63: {  	_ =	swait.ge [sflag:s19], $0x4000  }
0x64: {  	s26 =	smov.u32 s30;
	[sflag:s19] =	ssyncset.done $0x0  }
0x65: {  	s26 =	sadd.s32 s25, s17;
	[sflag:s19] =	ssyncadd.s32 $0xFFFFC000  }
0x66: {  	[tilespmem:s4], [sflag:$0x2] =	stream.linear.gather [hbm4b:s26+s4], $0x80, $0x38;
	[tilespmem:$0x1A100] =	vst v63  }
0x67: {  	_ =	swait.ge [sflag:s19], $0x80  }
0x68: {  	[sflag:s19] =	ssyncset.done $0x0  }
0x69: {  	s29 =	sadd.s32 s25, s16;
	[sflag:s19] =	ssyncadd.s32 $0xFFFFFF80  }
0x6a: {  	[tilespmem:s20], [sflag:$0x2] =	stream.linear.gather [hbm4b:s29+s4], $0x80, $0x38;
	[tilespmem:$0x1A100] =	vst v63  }
0x6b: {  	_ =	swait.ge [sflag:s19], $0x80  }
0x6c: {  	[sflag:s19] =	ssyncset.done $0x0  }
0x6d: {  	[sflag:s19] =	ssyncadd.s32 $0xFFFFFF80  }
0x6e: {  	[tilespmem:s21], [sflag:$0x1] =	stream.indirect.gather [hbm4b:s1+s20], $0x80, s4, s20, $0xb8;
	[tilespmem:$0x1A100] =	vst v63  }
0x6f: {  	_ =	swait.ge [sflag:s22], $0x4000  }
0x70: {  	[sflag:s22] =	ssyncset.done $0x0  }
0x71: {  	[sflag:s22] =	ssyncadd.s32 $0xFFFFC000  }
0x72: {  	[spmem:s2] =	stream.indirect.scatter.add.f32 [tilespmem:s21], [sflag:$0x2], $0x80, s20, s20, $0xb8;
	[tilespmem:$0x1A100] =	vst v63  }
0x73: {  	_ =	swait.ge [sflag:s19], $0x4000  }
0x74: {  	s30 =	sshll.u32 s3, $0x6;
	s24 =	sadd.s32 $0x1, s24;
	[sflag:s19] =	ssyncset.done $0x0  }
0x75: {  	s31 =	sshrl.u32 s5, $0x3;
	p0 =	sne.s32 s24, s6;
	[sflag:s19] =	ssyncadd.s32 $0xFFFFC000  }
.Ltmp2:
0x76: {  	s25 =	sor.u32 $0x1C02, s30;
	[bflag:$0x0] =	sbarrier.arrive $0xFFFF;
	(pc) =	sbr.rel @p0 .LBB2_1-.Ltmp2, $4  }
0x77: {  	[hbm:s23], [sflag:s25] =	dma.local [spmem:s31], $0x2800  }
0x78: {  	_ =	swait.ge [sflag:s19], $0x2800  }
0x79: {  	[sflag:s19] =	ssyncset.done $0x0  }
0x7a: {  	[sflag:s19] =	ssyncadd.s32 $0xFFFFD800  }
0x7b: {  	_ =	sfence.sel $0x180000  }
0x7c: {  	[bflag:$0x0] =	sbarrier.arrive $0xFFFF  }
0x7d: {  	p0 =	sne.s32 s3, $0x0;
	_ =	strace $0x9000004A  }
0x7e: {  	s0 =	sadd.s32 @!p0 $0x100000, s0;
	[bflag:$0x2] =	sbarrier.arrive $0xFFFF  }
0x7f: {  	[sflag:s0] =	ssyncadd.tile.s32 @!p0 $0x1;
	_ =	shalt  }
.Lfunc_end2:
_tile_overlayer_lowered:
.L_overlay_start_2:
0x80: {  	(tag) =	ssettag $0x2  }
0x81: {  	s0 =	rddreg [dreg:$0x0];
	s2 =	stileid.u32  }
0x82: {  	s1 =	rddreg [dreg:$0x1];
	p0 =	sne.s32 s2, $0x0  }
0x83: {  	s3 =	rddreg [dreg:$0x2];
	[bflag:$0x3] =	sbarrier.arrive $0xFFFF;
	s2 =	simm.s32 @!p0 $0x1C02  }
0x84: {  	[timem:s3], [sflag:s2] =	dma.local @!p0 [hbm:s0], s1  }
0x85: {  	s0 =	simm.s32 @!p0 $0x2  }
0x86: {  	_ =	swait.ge @!p0 [sflag:s0], s1  }
0x87: {  	s1 =	ssub.s32 @!p0 $0x0, s1;
	[sflag:s0] =	ssyncset.done @!p0 $0x0  }
0x88: {  	[sflag:s0] =	ssyncadd.s32 @!p0 s1  }
0x89: {  	[bflag:$0x3] =	sbarrier.arrive $0xFFFF  }
0x8a: {  	_ =	shalt  }

// kernel: kernel.16.cloned.1.call-start
scs
__scs_entry_jumppad:
0x0: {  	(pc) =	sbr.rel $0x88, $3  }
0x1: {  	(tag) =	ssettag $0x0;
	lr =	simm.s32 $0x1  }
0x2: {  	[smem:$0x3F90] =	sst lr;
	_ =	strace $0xD0000000  }
0x3: {  	_ = 	snop  }
0x4: {  	_ = 	snop  }
0x5: {  	_ = 	snop  }
0x6: {  	_ = 	snop  }
0x7: {  	_ = 	snop  }
__scs_overlays_trampoline_lowered:
0x8: {  	[smem:$0x3F9F] =	sst s0  }
0x9: {  	[smem:$0x3FA0] =	sst s1  }
0xa: {  	[smem:$0x3FA1] =	sst s2  }
0xb: {  	[smem:$0x3FA2] =	sst s3  }
0xc: {  	[smem:$0x3FA3] =	sst s4  }
0xd: {  	[smem:$0x3FA4] =	sst s5  }
0xe: {  	[smem:$0x3FA5] =	sst s6  }
0xf: {  	[smem:$0x3FA6] =	sst s7  }
0x10: {  	[smem:$0x3FA7] =	sst s8  }
0x11: {  	[smem:$0x3FA8] =	sst s9;
	s0 =	simm.s32 @!p0 $0x0  }
0x12: {  	s1 =	sld [smem:$0x3F8E];
	s0 =	simm.s32 @p0 $0x1  }
0x13: {  	[smem:$0x3FA9] =	sst s0;
	s0 =	simm.s32 @!p1 $0x0  }
0x14: {  	s2 =	sld [smem:$0x3F8D];
	s0 =	simm.s32 @p1 $0x1  }
0x15: {  	[smem:$0x3FAA] =	sst s0;
	s0 =	simm.s32 @!p2 $0x0  }
0x16: {  	s3 =	sld [smem:$0x3FDB];
	s0 =	simm.s32 @p2 $0x1  }
0x17: {  	s4 =	simm.s32 $0x1BF5;
	[smem:$0x3FAC] =	sst s0  }
0x18: {  	s0 =	sld [smem:$0x3F8F];
	_ =	swait.ge [sflag:s4], $0x0  }
0x19: {  	s7 =	sld [smem:$0x3F90]  }
0x1a: {  	s8 =	sadd.s32 $0xFFFFE003, lr  }
0x1b: {  	s9 =	sadd.s32 $0xFFFFFEF7, lr;
	s5 =	simm.s32 $0xFFFFFFFF;
	p2 =	slt.u32 s8, $0xFFFFF086  }
0x1c: {  	p1 =	slt.u32 s9, $0xF7A;
	s5 =	simm.s32 @!p2 $0x0  }
0x1d: {  	s5 =	simm.s32 @p1 $0x1;
	p0 =	seq.s32 s7, s2  }
0x1e: {  	s7 =	smul.u32 @!p0 $0xF7A, s2;
	p2 =	seq.s32 @!p0 s5, $0x0  }
0x1f: {  	s9 =	smul.u32 $0xF7A, s1;
	s8 =	simm.s32 @!p0 $0x1BF5;
	p2 =	por !p2, p0  }
0x20: {  	[sflag:s8] =	ssyncset.s32 @!p0 $0xFFFFF086;
	s6 =	sadd.s32 @!p0 s3, s7;
	s7 =	simm.s32 @!p0 $0x108  }
0x21: {  	s3 =	sadd.s32 s3, s9;
	s6 =	sadd.s32 @!p0 $0x88, s6;
	s7 =	simm.s32 @p2 $0x1082  }
0x22: {  	[simem:s7], [sflag:s8] =	dma.local @!p0 [hbm:s6], $0xF7A  }
0x23: {  	s9 =	sor.u32 $0xD0000000, s2;
	s6 =	simm.s32 $0x108;
	_ =	swait.ge @!p0 [sflag:s8], $0x0  }
0x24: {  	s3 =	sadd.s32 $0x88, s3;
	s6 =	simm.s32 @!p1 $0x1082;
	[sflag:s4] =	ssyncset.s32 $0xFFFFF086  }
0x25: {  	[simem:s6], [sflag:s4] =	dma.local [hbm:s3], $0xF7A  }
0x26: {  	[smem:$0x3F90] =	sst s1;
	(tag) =	ssettag s2;
	_ =	strace s9  }
0x27: {  	s1 =	sld [smem:$0x3FA0]  }
0x28: {  	s2 =	sld [smem:$0x3FA1]  }
0x29: {  	s4 =	sld [smem:$0x3FA3]  }
0x2a: {  	p0 =	seq.s32 s5, $0x0;
	s5 =	sld [smem:$0x3FA4]  }
0x2b: {  	s6 =	sld [smem:$0x3FA5]  }
0x2c: {  	s7 =	sld [smem:$0x3FA6]  }
0x2d: {  	s3 =	simm.s32 $0x108;
	s8 =	sld [smem:$0x3FA7]  }
0x2e: {  	s3 =	simm.s32 @!p0 $0x1082;
	s9 =	sld [smem:$0x3FA8]  }
0x2f: {  	lr =	sadd.s32 s0, s3;
	s0 =	sld [smem:$0x3F9F]  }
0x30: {  	s3 =	sld [smem:$0x3FA2]  }
0x31: {  	[smem:$0x3FAB] =	sst s10  }
0x32: {  	s10 =	sld [smem:$0x3FA9];
	_ =	sdelay $0x3  }
0x33: {  	p0 =	seq.s32 s10, $0x1;
	s10 =	sld [smem:$0x3FAB];
	_ =	sdelay $0x3  }
0x34: {  	[smem:$0x3FAB] =	sst s10  }
0x35: {  	s10 =	sld [smem:$0x3FAA];
	_ =	sdelay $0x3  }
0x36: {  	p1 =	seq.s32 s10, $0x1;
	s10 =	sld [smem:$0x3FAB];
	_ =	sdelay $0x3  }
0x37: {  	[smem:$0x3FAB] =	sst s10  }
0x38: {  	s10 =	sld [smem:$0x3FAC]  }
0x39: {  	_ = 	snop;
	(pc) =	sbr.ind lr, $3  }
0x3a: {  	_ = 	snop  }
0x3b: {  	_ = 	snop  }
0x3c: {  	p2 =	seq.s32 s10, $0x1;
	s10 =	sld [smem:$0x3FAB]  }
0x3d: {  	_ =	shalt  }
0x3e: {  	_ =	shalt  }
0x3f: {  	_ =	shalt  }
0x40: {  	_ =	shalt  }
0x41: {  	_ =	shalt  }
0x42: {  	_ =	shalt  }
0x43: {  	_ =	shalt  }
0x44: {  	_ =	shalt  }
0x45: {  	_ =	shalt  }
0x46: {  	_ =	shalt  }
0x47: {  	_ =	shalt  }
0x48: {  	_ =	shalt  }
0x49: {  	_ =	shalt  }
0x4a: {  	_ =	shalt  }
0x4b: {  	_ =	shalt  }
0x4c: {  	_ =	shalt  }
0x4d: {  	_ =	shalt  }
0x4e: {  	_ =	shalt  }
0x4f: {  	_ =	shalt  }
0x50: {  	_ =	shalt  }
0x51: {  	_ =	shalt  }
0x52: {  	_ =	shalt  }
0x53: {  	_ =	shalt  }
0x54: {  	_ =	shalt  }
0x55: {  	_ =	shalt  }
0x56: {  	_ =	shalt  }
0x57: {  	_ =	shalt  }
0x58: {  	_ =	shalt  }
0x59: {  	_ =	shalt  }
0x5a: {  	_ =	shalt  }
0x5b: {  	_ =	shalt  }
0x5c: {  	_ =	shalt  }
0x5d: {  	_ =	shalt  }
0x5e: {  	_ =	shalt  }
0x5f: {  	_ =	shalt  }
0x60: {  	_ =	shalt  }
0x61: {  	_ =	shalt  }
0x62: {  	_ =	shalt  }
0x63: {  	_ =	shalt  }
0x64: {  	_ =	shalt  }
0x65: {  	_ =	shalt  }
0x66: {  	_ =	shalt  }
0x67: {  	_ =	shalt  }
0x68: {  	_ =	shalt  }
0x69: {  	_ =	shalt  }
0x6a: {  	_ =	shalt  }
0x6b: {  	_ =	shalt  }
0x6c: {  	_ =	shalt  }
0x6d: {  	_ =	shalt  }
0x6e: {  	_ =	shalt  }
0x6f: {  	_ =	shalt  }
0x70: {  	_ =	shalt  }
0x71: {  	_ =	shalt  }
0x72: {  	_ =	shalt  }
0x73: {  	_ =	shalt  }
0x74: {  	_ =	shalt  }
0x75: {  	_ =	shalt  }
0x76: {  	_ =	shalt  }
0x77: {  	_ =	shalt  }
0x78: {  	_ =	shalt  }
0x79: {  	_ =	shalt  }
0x7a: {  	_ =	shalt  }
0x7b: {  	_ =	shalt  }
0x7c: {  	_ =	shalt  }
0x7d: {  	_ =	shalt  }
0x7e: {  	_ =	shalt  }
0x7f: {  	_ =	shalt  }
0x80: {  	_ =	shalt  }
0x81: {  	_ =	shalt  }
0x82: {  	_ =	shalt  }
0x83: {  	_ =	shalt  }
0x84: {  	_ =	shalt  }
0x85: {  	_ =	shalt  }
0x86: {  	_ =	shalt  }
0x87: {  	_ =	shalt  }
.Lfunc_end0:
.L_simem_size_0:
called_computation.2_lowered:
.L_overlay_start_0:
0x88: {  	s2 =	sld [smem:$0x3FD9]  }
0x89: {  	s3 =	sld [smem:$0x3FFE];
	_ =	sdelay $0x1  }
0x8a: {  	s1 =	srdreg.scid  }
0x8b: {  	s0 =	sand.u32 $0x1, s1  }
0x8c: {  	s14 =	sshll.u32 s0, $0xA;
	s2 =	sadd.s32 s3, s2  }
0x8d: {  	s2 =	sadd.s32 s2, s14  }
0x8e: {  	[smem:$0x3FB7] =	sst s2  }
0x8f: {  	_ = 	snop  }
0x90: {  	s2 =	sld [smem:$0x3FD0];
	_ =	sdelay $0x2  }
0x91: {  	s15 =	simm.s32 $0xA;
	s4 =	simm.s32 $0x10  }
0x92: {  	[smem:s4], [sflag:s15] =	dma.local [hbm:s2], $0x1  }
0x93: {  	_ =	swait.eq [sflag:s15], $0x1  }
0x94: {  	[sflag:s15] =	ssyncset.done $0x0  }
0x95: {  	[sflag:s15] =	ssyncadd.s32 $0xFFFFFFFF  }
0x96: {  	s16 =	sld [smem:$0x11];
	(tm) =	ssettm $0x1  }
0x97: {  	s17 =	sld [smem:$0x3FFB];
	_ =	sdelay $0x3  }
0x98: {  	_ =	strace s17  }
0x99: {  	s3 =	sld [smem:$0x3FFC];
	_ =	sdelay $0x3  }
0x9a: {  	_ =	strace s3  }
0x9b: {  	s3 =	sld [smem:$0x3FFD];
	_ =	sdelay $0x3  }
0x9c: {  	_ =	strace s3  }
0x9d: {  	_ =	strace $0x8FFFFFFF  }
0x9e: {  	s18 =	sld [smem:$0x3FDB];
	_ =	sdelay $0x1  }
0x9f: {  	s19 =	simm.s32 $_scs_section_size  }
0xa0: {  	s5 =	simm.s32 $_size__tile_overlayer_lowered;
	s6 =	simm.s32 $_tile_overlayer_lowered  }
0xa1: {  	s22 =	simm.s32 $0x1BFF;
	s21 =	sshll.u32 s6, $0x1;
	s3 =	sadd.s32 s19, s18  }
0xa2: {  	s7 =	simm.s32 $0x0;
	s20 =	sshll.u32 s5, $0x1;
	s5 =	sadd.s32 s21, s3  }
0xa3: {  	[timem:s7], [sflag:s22] =	dma.local [hbm:s5], s20  }
0xa4: {  	_ =	swait.ge [sflag:s22], s20  }
0xa5: {  	s4 =	ssub.s32 $0x0, s20;
	[sflag:s22] =	ssyncset.done $0x0  }
0xa6: {  	[sflag:s22] =	ssyncadd.s32 s4;
	_ =	sdelay $0x1  }
0xa7: {  	s23 =	simm.s32 $0x1B8B  }
0xa8: {  	_ =	swait.ge [sflag:s23], $0x1  }
0xa9: {  	[sflag:s23] =	ssyncset.done $0x0  }
0xaa: {  	s25 =	simm.s32 $0x1B8E;
	s24 =	sld [smem:$0x3FFE];
	[sflag:s23] =	ssyncadd.s32 $0xFFFFFFFF  }
0xab: {  	s26 =	simm.s32 $execute0_lowered;
	[smem:$0x3FD2] =	sst s25  }
0xac: {  	s5 =	sshll.u32 s26, $0x1;
	_ =	strace $0x8000004C;
	[dreg:$0x1] =	wrdreg $0xFFFFFFFF  }
0xad: {  	s28 =	simm.s32 $_size_execute0_lowered;
	s3 =	sadd.s32 s3, s5;
	[dreg:$0x0] =	wrdreg $0x0  }
0xae: {  	s5 =	sshll.u32 s28, $0x1;
	[dreg:$0x2] =	wrdreg s3  }
0xaf: {  	[dreg:$0x3] =	wrdreg s5  }
0xb0: {  	[dreg:$0x4] =	wrdreg $0xC0  }
0xb1: {  	_ =	task [dreg:s7], $0x5FFFF  }
0xb2: {  	[dreg:$0x1] =	wrdreg $0xFFFFFFFF  }
0xb3: {  	[dreg:$0x0] =	wrdreg $0x60  }
0xb4: {  	[dreg:$0x2] =	wrdreg s16  }
0xb5: {  	[dreg:$0x3] =	wrdreg s24  }
0xb6: {  	[dreg:$0x4] =	wrdreg $0x61000  }
0xb7: {  	[dreg:$0x5] =	wrdreg $0x9  }
0xb8: {  	_ =	task.clear_ibuf [dreg:s7], $0x6FFFF;
	_ =	strace $0x9000004C  }
0xb9: {  	s29 =	simm.s32 $0x9;
	_ =	strace $0x8000004E  }
0xba: {  	_ =	swait.ge [sflag:s29], $0x1  }
0xbb: {  	[sflag:s29] =	ssyncadd.s32 $0xFFFFFFFF  }
0xbc: {  	_ =	strace $0x9000004E  }
0xbd: {  	_ =	sfence  }
0xbe: {  	s30 =	sld [smem:$0x0];
	_ =	sdelay $0x2  }
0xbf: {  	s31 =	sshll.u32 s1, $0xD;
	s1 =	sshrl.u32 s1, $0x2  }
0xc0: {  	s3 =	sand.u32 $0x4000, s31;
	s1 =	sadd.s32 s1, s30  }
0xc1: {  	s0 =	sor.u32 s3, s0;
	s1 =	sshll.u32 s1, $0x11  }
0xc2: {  	s0 =	sor.u32 s1, s0  }
0xc3: {  	s0 =	sadd.s32 $0x8F2B, s0  }
0xc4: {  	[sflag:s0] =	ssyncadd.remote.s32 $0x1  }
0xc5: {  	_ =	sfence.sel $0xFFFF  }
0xc6: {  	[dreg:$0x0] =	wrdreg $0xFFFFFFFF;
	(pc) =	sbr.abs _section_cstart, $3  }
0xc7: {  	[dreg:$0x1] =	wrdreg $0xFFFFFFFF  }
0xc8: {  	_ =	task.clear_ibuf [dreg:s7], $0x2FFFF;
	_ =	strace $0x9FFFFFFF  }
0xc9: {  	(tm) =	ssettm $0x7FFFFFFF  }
tec
execute0_lowered:
.L_overlay_start_1:
0x0: {  	(tag) =	ssettag $0x1  }
0x1: {  	s1 =	rddreg [dreg:$0x0]  }
0x2: {  	s5 =	rddreg [dreg:$0x1]  }
0x3: {  	s0 =	srdreg.scid;
	s2 =	rddreg [dreg:$0x2]  }
0x4: {  	s4 =	simm.s32 $0x0;
	s3 =	stileid.u32;
	s18 =	simm.s32 $0x4100  }
0x5: {  	s19 =	simm.s32 $0x2;
	s20 =	simm.s32 $0x80;
	s9 =	smul.u32 $0x50000, s3  }
0x6: {  	s21 =	simm.s32 $0x100;
	s6 =	sand.u32 $0x1, s0;
	s24 =	smul.u32 $0x2800, s3  }
0x7: {  	s22 =	simm.s32 $0x1;
	s0 =	rddreg [dreg:$0x3];
	s7 =	smul.u32 $0x5000, s6  }
0x8: {  	[smem:$0x7FF] =	sst s4;
	s8 =	smul.u32 $0x28000, s6;
	s6 =	ssub.s32 $0x2, s6  }
0x9: {  	s17 =	smul.u32 $0x500, s3;
	_ =	strace $0x8000004D;
	s30 =	sshrl.u32 s6, $0x1  }
0xa: {  	s31 =	sshrl.u32 s9, $0x2;
	s16 =	sadd.s32 s7, s5;
	s8 =	sadd.s32 s8, s5  }
0xb: {  	s6 =	ssub.s32 s6, s30;
	s5 =	sadd.s32 s31, s2;
	s23 =	sadd.s32 $0x3EE00, s8  }
0xc: {  	s6 =	smax.u32 s6, $0x1;
	s7 =	sadd.s32 $0x2000, s5;
	s8 =	sadd.s32 $0x4000, s5  }
0xd: {  	s9 =	sadd.s32 $0x6000, s5;
	s10 =	sadd.s32 $0x8000, s5;
	s11 =	sadd.s32 $0xA000, s5  }
0xe: {  	s12 =	sadd.s32 $0xC000, s5;
	s13 =	sadd.s32 $0xE000, s5;
	s17 =	sadd.s32 s17, s16  }
0xf: {  	s14 =	sadd.s32 $0x10000, s5;
	s15 =	sadd.s32 $0x12000, s5;
	s16 =	sadd.s32 $0xDC00, s17  }
0x10: {  	v0 =	vimm.f32 $0.0e+00;
	s17 =	sadd.s32 $0x3C00, s17;
	s23 =	sadd.s32 s24, s23;
	s24 =	simm.s32 $0x0  }
.LBB2_1:
0x11: {  	s25 =	sand.u32 $0x7E00, s4  }
0x12: {  	s26 =	sand.u32 $0x70, s4;
	s28 =	sshrl.u32 s25, $0x2  }
0x13: {  	s25 =	simm.s32 $0x40;
	s28 =	sor.u32 s26, s28;
	s26 =	simm.s32 $0x0  }
.LBB2_2:
0x14: {  	p0 =	sne.s32 s25, $0x7FC0  }
0x15: {  	[tilespmem:s28+$0x4100] =	vst v0;
	s26 =	sadd.s32 $0x10, s26;
	s28 =	smov.u32 s25;
	s25 =	sadd.s32 $0x40, s25  }
.Ltmp0:
0x16: {  	(pc) =	sbr.rel @p0 .LBB2_2-.Ltmp0, $4  }
0x17: {  	_ = 	snop  }
0x18: {  	s28 =	sand.u32 $0x7E00, s28  }
0x19: {  	s29 =	sand.u32 $0x70, s26;
	s28 =	sshrl.u32 s28, $0x2  }
0x1a: {  	s28 =	sor.u32 s29, s28  }
0x1b: {  	[tilespmem:s28+$0x4100] =	vst v0  }
0x1c: {  	[spmem:s5] =	stream.linear.scatter [tilespmem:s18], [sflag:$0x2], $0x2000, $0x38;
	[tilespmem:$0x1A100] =	vst v63  }
0x1d: {  	_ =	swait.ge [sflag:s19], $0x2000  }
0x1e: {  	[sflag:s19] =	ssyncset.done $0x0  }
0x1f: {  	[sflag:s19] =	ssyncadd.s32 $0xFFFFE000  }
0x20: {  	[spmem:s7] =	stream.linear.scatter [tilespmem:s18], [sflag:$0x2], $0x2000, $0x38;
	[tilespmem:$0x1A100] =	vst v63  }
0x21: {  	_ =	swait.ge [sflag:s19], $0x2000  }
0x22: {  	[sflag:s19] =	ssyncset.done $0x0  }
0x23: {  	[sflag:s19] =	ssyncadd.s32 $0xFFFFE000  }
0x24: {  	[spmem:s8] =	stream.linear.scatter [tilespmem:s18], [sflag:$0x2], $0x2000, $0x38;
	[tilespmem:$0x1A100] =	vst v63  }
0x25: {  	_ =	swait.ge [sflag:s19], $0x2000  }
0x26: {  	[sflag:s19] =	ssyncset.done $0x0  }
0x27: {  	[sflag:s19] =	ssyncadd.s32 $0xFFFFE000  }
0x28: {  	[spmem:s9] =	stream.linear.scatter [tilespmem:s18], [sflag:$0x2], $0x2000, $0x38;
	[tilespmem:$0x1A100] =	vst v63  }
0x29: {  	_ =	swait.ge [sflag:s19], $0x2000  }
0x2a: {  	[sflag:s19] =	ssyncset.done $0x0  }
0x2b: {  	[sflag:s19] =	ssyncadd.s32 $0xFFFFE000  }
0x2c: {  	[spmem:s10] =	stream.linear.scatter [tilespmem:s18], [sflag:$0x2], $0x2000, $0x38;
	[tilespmem:$0x1A100] =	vst v63  }
0x2d: {  	_ =	swait.ge [sflag:s19], $0x2000  }
0x2e: {  	[sflag:s19] =	ssyncset.done $0x0  }
0x2f: {  	[sflag:s19] =	ssyncadd.s32 $0xFFFFE000  }
0x30: {  	[spmem:s11] =	stream.linear.scatter [tilespmem:s18], [sflag:$0x2], $0x2000, $0x38;
	[tilespmem:$0x1A100] =	vst v63  }
0x31: {  	_ =	swait.ge [sflag:s19], $0x2000  }
0x32: {  	[sflag:s19] =	ssyncset.done $0x0  }
0x33: {  	[sflag:s19] =	ssyncadd.s32 $0xFFFFE000  }
0x34: {  	[spmem:s12] =	stream.linear.scatter [tilespmem:s18], [sflag:$0x2], $0x2000, $0x38;
	[tilespmem:$0x1A100] =	vst v63  }
0x35: {  	_ =	swait.ge [sflag:s19], $0x2000  }
0x36: {  	[sflag:s19] =	ssyncset.done $0x0  }
0x37: {  	[sflag:s19] =	ssyncadd.s32 $0xFFFFE000  }
0x38: {  	[spmem:s13] =	stream.linear.scatter [tilespmem:s18], [sflag:$0x2], $0x2000, $0x38;
	[tilespmem:$0x1A100] =	vst v63  }
0x39: {  	_ =	swait.ge [sflag:s19], $0x2000  }
0x3a: {  	[sflag:s19] =	ssyncset.done $0x0  }
0x3b: {  	[sflag:s19] =	ssyncadd.s32 $0xFFFFE000  }
0x3c: {  	[spmem:s14] =	stream.linear.scatter [tilespmem:s18], [sflag:$0x2], $0x2000, $0x38;
	[tilespmem:$0x1A100] =	vst v63  }
0x3d: {  	_ =	swait.ge [sflag:s19], $0x2000  }
0x3e: {  	[sflag:s19] =	ssyncset.done $0x0  }
0x3f: {  	[sflag:s19] =	ssyncadd.s32 $0xFFFFE000  }
0x40: {  	[spmem:s15] =	stream.linear.scatter [tilespmem:s18], [sflag:$0x2], $0x2000, $0x38;
	[tilespmem:$0x1A100] =	vst v63  }
0x41: {  	_ =	swait.ge [sflag:s19], $0x2000  }
0x42: {  	[sflag:s19] =	ssyncset.done $0x0  }
0x43: {  	[sflag:s19] =	ssyncadd.s32 $0xFFFFE000  }
0x44: {  	s25 =	sadd.s32 $0x0, s17;
	[bflag:$0x0] =	sbarrier.arrive $0xFFFF  }
0x45: {  	[tilespmem:s4], [sflag:$0x2] =	stream.linear.gather [hbm4b:s25+s4], $0x80, $0x38;
	[tilespmem:$0x1A100] =	vst v63  }
0x46: {  	_ =	swait.ge [sflag:s19], $0x80  }
0x47: {  	[sflag:s19] =	ssyncset.done $0x0  }
0x48: {  	s31 =	sadd.s32 $0x0, s16;
	[sflag:s19] =	ssyncadd.s32 $0xFFFFFF80  }
0x49: {  	[tilespmem:s20], [sflag:$0x2] =	stream.linear.gather [hbm4b:s31+s4], $0x80, $0x38;
	[tilespmem:$0x1A100] =	vst v63  }
0x4a: {  	_ =	swait.ge [sflag:s19], $0x80  }
0x4b: {  	[sflag:s19] =	ssyncset.done $0x0  }
0x4c: {  	[sflag:s19] =	ssyncadd.s32 $0xFFFFFF80  }
0x4d: {  	[tilespmem:s21], [sflag:$0x1] =	stream.indirect.gather [hbm4b:s1+s20], $0x80, s4, s20, $0xb8;
	[tilespmem:$0x1A100] =	vst v63  }
0x4e: {  	_ =	swait.ge [sflag:s22], $0x4000  }
0x4f: {  	[sflag:s22] =	ssyncset.done $0x0  }
0x50: {  	[sflag:s22] =	ssyncadd.s32 $0xFFFFC000  }
0x51: {  	[spmem:s2] =	stream.indirect.scatter.add.f32 [tilespmem:s21], [sflag:$0x2], $0x80, s20, s20, $0xb8;
	[tilespmem:$0x1A100] =	vst v63  }
0x52: {  	_ =	swait.ge [sflag:s19], $0x4000  }
0x53: {  	s26 =	simm.s32 $0x20;
	s25 =	simm.s32 $0x10;
	[sflag:s19] =	ssyncset.done $0x0  }
.LBB2_4:
0x54: {  	s28 =	sadd.s32 s25, s17  }
0x55: {  	[sflag:s19] =	ssyncadd.s32 $0xFFFFC000;
	s29 =	smov.u32 s26;
	s30 =	sadd.s32 $0x10, s26  }
0x56: {  	[tilespmem:s4], [sflag:$0x2] =	stream.linear.gather [hbm4b:s28+s4], $0x80, $0x38;
	[tilespmem:$0x1A100] =	vst v63  }
0x57: {  	p0 =	sne.s32 s26, $0x4F0;
	_ =	swait.ge [sflag:s19], $0x80  }
0x58: {  	[sflag:s19] =	ssyncset.done $0x0  }
0x59: {  	s26 =	sadd.s32 s25, s16;
	s25 =	smov.u32 s29;
	[sflag:s19] =	ssyncadd.s32 $0xFFFFFF80  }
0x5a: {  	[tilespmem:s20], [sflag:$0x2] =	stream.linear.gather [hbm4b:s26+s4], $0x80, $0x38;
	[tilespmem:$0x1A100] =	vst v63  }
0x5b: {  	_ =	swait.ge [sflag:s19], $0x80  }
0x5c: {  	[sflag:s19] =	ssyncset.done $0x0  }
0x5d: {  	[sflag:s19] =	ssyncadd.s32 $0xFFFFFF80  }
0x5e: {  	[tilespmem:s21], [sflag:$0x1] =	stream.indirect.gather [hbm4b:s1+s20], $0x80, s4, s20, $0xb8;
	[tilespmem:$0x1A100] =	vst v63  }
0x5f: {  	_ =	swait.ge [sflag:s22], $0x4000  }
.Ltmp1:
0x60: {  	[sflag:s22] =	ssyncset.done $0x0;
	(pc) =	sbr.rel @p0 .LBB2_4-.Ltmp1, $4  }
0x61: {  	[sflag:s22] =	ssyncadd.s32 $0xFFFFC000  }
0x62: {  	[spmem:s2] =	stream.indirect.scatter.add.f32 [tilespmem:s21], [sflag:$0x2], $0x80, s20, s20, $0xb8;
	[tilespmem:$0x1A100] =	vst v63  }
0x63: {  	_ =	swait.ge [sflag:s19], $0x4000  }
0x64: {  	s26 =	smov.u32 s30;
	[sflag:s19] =	ssyncset.done $0x0  }
0x65: {  	s26 =	sadd.s32 s25, s17;
	[sflag:s19] =	ssyncadd.s32 $0xFFFFC000  }
0x66: {  	[tilespmem:s4], [sflag:$0x2] =	stream.linear.gather [hbm4b:s26+s4], $0x80, $0x38;
	[tilespmem:$0x1A100] =	vst v63  }
0x67: {  	_ =	swait.ge [sflag:s19], $0x80  }
0x68: {  	[sflag:s19] =	ssyncset.done $0x0  }
0x69: {  	s29 =	sadd.s32 s25, s16;
	[sflag:s19] =	ssyncadd.s32 $0xFFFFFF80  }
0x6a: {  	[tilespmem:s20], [sflag:$0x2] =	stream.linear.gather [hbm4b:s29+s4], $0x80, $0x38;
	[tilespmem:$0x1A100] =	vst v63  }
0x6b: {  	_ =	swait.ge [sflag:s19], $0x80  }
0x6c: {  	[sflag:s19] =	ssyncset.done $0x0  }
0x6d: {  	[sflag:s19] =	ssyncadd.s32 $0xFFFFFF80  }
0x6e: {  	[tilespmem:s21], [sflag:$0x1] =	stream.indirect.gather [hbm4b:s1+s20], $0x80, s4, s20, $0xb8;
	[tilespmem:$0x1A100] =	vst v63  }
0x6f: {  	_ =	swait.ge [sflag:s22], $0x4000  }
0x70: {  	[sflag:s22] =	ssyncset.done $0x0  }
0x71: {  	[sflag:s22] =	ssyncadd.s32 $0xFFFFC000  }
0x72: {  	[spmem:s2] =	stream.indirect.scatter.add.f32 [tilespmem:s21], [sflag:$0x2], $0x80, s20, s20, $0xb8;
	[tilespmem:$0x1A100] =	vst v63  }
0x73: {  	_ =	swait.ge [sflag:s19], $0x4000  }
0x74: {  	s30 =	sshll.u32 s3, $0x6;
	s24 =	sadd.s32 $0x1, s24;
	[sflag:s19] =	ssyncset.done $0x0  }
0x75: {  	s31 =	sshrl.u32 s5, $0x3;
	p0 =	sne.s32 s24, s6;
	[sflag:s19] =	ssyncadd.s32 $0xFFFFC000  }
.Ltmp2:
0x76: {  	s25 =	sor.u32 $0x1C02, s30;
	[bflag:$0x0] =	sbarrier.arrive $0xFFFF;
	(pc) =	sbr.rel @p0 .LBB2_1-.Ltmp2, $4  }
0x77: {  	[hbm:s23], [sflag:s25] =	dma.local [spmem:s31], $0x2800  }
0x78: {  	_ =	swait.ge [sflag:s19], $0x2800  }
0x79: {  	[sflag:s19] =	ssyncset.done $0x0  }
0x7a: {  	[sflag:s19] =	ssyncadd.s32 $0xFFFFD800  }
0x7b: {  	_ =	sfence.sel $0x180000  }
0x7c: {  	[bflag:$0x0] =	sbarrier.arrive $0xFFFF  }
0x7d: {  	p0 =	sne.s32 s3, $0x0;
	_ =	strace $0x9000004D  }
0x7e: {  	s0 =	sadd.s32 @!p0 $0x100000, s0;
	[bflag:$0x2] =	sbarrier.arrive $0xFFFF  }
0x7f: {  	[sflag:s0] =	ssyncadd.tile.s32 @!p0 $0x1;
	_ =	shalt  }
.Lfunc_end2:
_tile_overlayer_lowered:
.L_overlay_start_2:
0x80: {  	(tag) =	ssettag $0x2  }
0x81: {  	s0 =	rddreg [dreg:$0x0];
	s2 =	stileid.u32  }
0x82: {  	s1 =	rddreg [dreg:$0x1];
	p0 =	sne.s32 s2, $0x0  }
0x83: {  	s3 =	rddreg [dreg:$0x2];
	[bflag:$0x3] =	sbarrier.arrive $0xFFFF;
	s2 =	simm.s32 @!p0 $0x1C02  }
0x84: {  	[timem:s3], [sflag:s2] =	dma.local @!p0 [hbm:s0], s1  }
0x85: {  	s0 =	simm.s32 @!p0 $0x2  }
0x86: {  	_ =	swait.ge @!p0 [sflag:s0], s1  }
0x87: {  	s1 =	ssub.s32 @!p0 $0x0, s1;
	[sflag:s0] =	ssyncset.done @!p0 $0x0  }
0x88: {  	[sflag:s0] =	ssyncadd.s32 @!p0 s1  }
0x89: {  	[bflag:$0x3] =	sbarrier.arrive $0xFFFF  }
0x8a: {  	_ =	shalt  }

</sc_bundles>
